<compile_context>
chip_gen: v7x
topology: tpu7x:2x2x1
jax: 0.10.2.dev20260603
libtpu: 0.0.44.dev20260713+nightly
codegen_flags: <defaults>
</compile_context>

<pallas_src>
import functools

import jax
import jax.numpy as jnp
from jax import lax
from jax.experimental import pallas as pl
from jax.experimental.pallas import tpu as pltpu
from jax.experimental.pallas import tpu_sc as plsc

_B = 16384
_F = 26
_V = 100000
_D = 32
_NC = 2
_NS = 16
_NW = _NC * _NS
_Q = 4096
_NQ = _B // _Q
_PARTS = ((26, 0),)

_mesh = plsc.VectorSubcoreMesh(
    core_axis_name="c", subcore_axis_name="s",
    num_cores=_NC, num_subcores=_NS)


@functools.cache
def _make_plane_kernel(fp):

    @functools.partial(
        pl.kernel,
        out_type=jax.ShapeDtypeStruct((fp * _D * _B,), jnp.float32),
        mesh=_mesh,
        scratch_types=[
            pltpu.VMEM((_V,), jnp.float32),
            pltpu.VMEM((_B,), jnp.int32),
            pltpu.VMEM((2, _Q), jnp.float32),
            pltpu.SemaphoreType.DMA,
        ],
        compiler_params=pltpu.CompilerParams(
            use_tc_tiling_on_sc=False, needs_layout_passes=False),
    )
    def plane_kernel(tab_hbm, idx_hbm, out_hbm, vec_v, idx_v, out_v, wsem):
        wid = lax.axis_index("s") * _NC + lax.axis_index("c")
        item0 = wid * fp

        def out_cp(item, q, buf):
            return pltpu.make_async_copy(
                out_v.at[buf], out_hbm.at[pl.ds(item * _B + q * _Q, _Q)],
                wsem)

        def body(i, prev_f):
            item = item0 + i
            f = item // _D
            d = item % _D

            @pl.when(f != prev_f)
            def _():
                pltpu.sync_copy(idx_hbm.at[pl.ds(f * _B, _B)], idx_v)

            pltpu.sync_copy(tab_hbm.at[pl.ds(item * _V, _V)], vec_v)

            for q in range(_NQ):
                buf = q % 2

                def gather_body(g, carry):
                    b0 = q * _Q + g * 256
                    for u in range(16):
                        idx16 = idx_v[pl.ds(b0 + u * 16, 16)]
                        out_v[buf, pl.ds(g * 256 + u * 16, 16)] = (
                            plsc.load_gather(vec_v, [idx16]))
                    return carry

                lax.fori_loop(0, _Q // 256, gather_body, None)
                if q >= 2:
                    out_cp(item, q - 2, buf).wait()
                out_cp(item, q, buf).start()

            out_cp(item, _NQ - 2, 0).wait()
            out_cp(item, _NQ - 1, 1).wait()
            return f

        lax.fori_loop(0, fp, body, jnp.int32(-1))

    return plane_kernel


def kernel(indices, tables):
    tab_t = jnp.transpose(tables, (0, 2, 1))
    idx_t = jnp.transpose(indices, (1, 0))
    outs = []
    for fp, foff in _PARTS:
        tab_part = tab_t[foff:foff + fp].reshape(fp * _D * _V)
        idx_part = idx_t[foff:foff + fp].reshape(fp * _B)
        out_part = _make_plane_kernel(fp)(tab_part, idx_part)
        outs.append(out_part.reshape(fp * _D, _B))
    cat = jnp.concatenate(outs, axis=0)
    return jnp.transpose(cat, (1, 0)).reshape(_B, _F * _D)

# --- scband reference (transcript-rebuilt; emitter-appended) ---
"""Pipeline reference for scband-keras-feature-input-merged-model-v2-27032524161186 (READ-ONLY COPY).

The authoritative reference and input builder live on the scoring server;
editing this copy changes nothing except your own understanding.
"""

import jax, jax.numpy as jnp
import numpy as np

BATCH = 16384
FIELDS = 26
VOCAB = 100000
DIM = 32

def setup_inputs(seed: int = 0) -> dict:
    key = jax.random.key(seed)
    k1, k2 = jax.random.split(key)
    indices = jax.random.randint(k1, (BATCH, FIELDS), 0, VOCAB, dtype=jnp.int32)
    tables = jax.random.normal(k2, (FIELDS, VOCAB, DIM), dtype=jnp.float32) * 0.02
    return {"indices": indices, "tables": tables}

def reference(indices, tables):
    # DenseFeatures over 26 embedding feature columns: per-field table lookup,
    # then concatenate field embeddings along the feature axis.
    gathered = jax.vmap(lambda t, idx: jnp.take(t, idx, axis=0), in_axes=(0, 1), out_axes=1)(tables, indices)  # [B, F, D]
    return gathered.reshape(indices.shape[0], FIELDS * DIM)

if __name__ == "__main__":
    import jax
    _d = setup_inputs()
    print(jax.jit(kernel)(*tuple(_d.values())))

</pallas_src>

<mosaic_0001>
#map = affine_map<(d0, d1) -> (0)>
module attributes {stable_mosaic.version = 14 : i64} {
  func.func @plane_kernel(%arg0: i32, %arg1: i32, %arg2: memref<83200000xf32, #tpu.memory_space<hbm>>, %arg3: memref<425984xi32, #tpu.memory_space<hbm>>, %arg4: memref<13631488xf32, #tpu.memory_space<hbm>>, %arg5: memref<100000xf32, #tpu.memory_space<vmem>>, %arg6: memref<16384xi32, #tpu.memory_space<vmem>>, %arg7: memref<2x4096xf32, #tpu.memory_space<vmem>>, %arg8: memref<!tpu.dma_semaphore, #tpu.memory_space<semaphore_mem>>) attributes {dimension_semantics = [#tpu.dimension_semantics<core_parallel>, #tpu.dimension_semantics<subcore_parallel>], iteration_bounds = array<i64: 2, 16>, scalar_prefetch = 0 : i64, scratch_operands = 4 : i64, tpu.core_type = #tpu.core_type<sc_vector_subcore>, window_params = [{transform_indices = #map}, {transform_indices = #map}, {transform_indices = #map}]} {
    %mul3A = arith.constant 2 : i32
    %mul3A_0 = arith.muli %arg1, %mul3A : i32
    %add3A = arith.addi %mul3A_0, %arg0 : i32
    %mul3A_1 = arith.constant 26 : i32
    %mul3A_2 = arith.muli %add3A, %mul3A_1 : i32
    %scan3A = arith.constant -1 : i32
    %scan3A_3 = arith.constant 0 : i32
    %scan3A_4 = arith.constant 26 : i32
    %scan3A_5 = arith.addi %scan3A_3, %scan3A_4 : i32
    %scan3A_6 = arith.constant 1 : i32
    %scan3A_7 = scf.for %scan3A_9 = %scan3A_3 to %scan3A_5 step %scan3A_6 iter_args(%scan3A_10 = %scan3A) -> (i32)  : i32 {
      %add3A_11 = arith.addi %mul3A_2, %scan3A_9 : i32
      %jit3A = arith.constant 32 : i32
      %div3A = arith.divsi %add3A_11, %jit3A : i32
      %sign3A = arith.constant 0 : i32
      %sign3A_12 = arith.cmpi sgt, %add3A_11, %sign3A : i32
      %sign3A_13 = arith.extui %sign3A_12 : i1 to i32
      %sign3A_14 = arith.constant 0 : i32
      %sign3A_15 = arith.cmpi slt, %add3A_11, %sign3A_14 : i32
      %sign3A_16 = arith.extui %sign3A_15 : i1 to i32
      %sign3A_17 = arith.subi %sign3A_13, %sign3A_16 : i32
      %sign3A_18 = arith.constant 0 : i32
      %sign3A_19 = arith.cmpi sgt, %jit3A, %sign3A_18 : i32
      %sign3A_20 = arith.extui %sign3A_19 : i1 to i32
      %sign3A_21 = arith.constant 0 : i32
      %sign3A_22 = arith.cmpi slt, %jit3A, %sign3A_21 : i32
      %sign3A_23 = arith.extui %sign3A_22 : i1 to i32
      %sign3A_24 = arith.subi %sign3A_20, %sign3A_23 : i32
      %ne3A = arith.cmpi ne, %sign3A_17, %sign3A_24 : i32
      %rem3A = arith.remsi %add3A_11, %jit3A : i32
      %ne3A_25 = arith.constant 0 : i32
      %ne3A_26 = arith.cmpi ne, %rem3A, %ne3A_25 : i32
      %and3A = arith.andi %ne3A, %ne3A_26 : i1
      %sub3A = arith.constant 1 : i32
      %sub3A_27 = arith.subi %div3A, %sub3A : i32
      %select_n3A = arith.select %and3A, %sub3A_27, %div3A : i32
      %jit3A_28 = arith.constant 32 : i32
      %eq3A = arith.constant 0 : i32
      %eq3A_29 = arith.cmpi eq, %jit3A_28, %eq3A : i32
      %jit3A_30 = arith.constant 1 : i32
      %select_n3A_31 = arith.select %eq3A_29, %jit3A_30, %jit3A_28 : i32
      %rem3A_32 = arith.remsi %add3A_11, %select_n3A_31 : i32
      %ne3A_33 = arith.constant 0 : i32
      %ne3A_34 = arith.cmpi ne, %rem3A_32, %ne3A_33 : i32
      %lt3A = arith.constant 0 : i32
      %lt3A_35 = arith.cmpi slt, %rem3A_32, %lt3A : i32
      %lt3A_36 = arith.constant 0 : i32
      %lt3A_37 = arith.cmpi slt, %select_n3A_31, %lt3A_36 : i32
      %ne3A_38 = arith.xori %lt3A_35, %lt3A_37 : i1
      %and3A_39 = arith.andi %ne3A_38, %ne3A_34 : i1
      %add3A_40 = arith.addi %rem3A_32, %select_n3A_31 : i32
      %select_n3A_41 = arith.select %and3A_39, %add3A_40, %rem3A_32 : i32
      %ne3A_42 = arith.cmpi ne, %select_n3A, %scan3A_10 : i32
      %convert_element_type3A = arith.extui %ne3A_42 : i1 to i32
      %cond3A = arith.constant 0 : i32
      %cond3A_43 = arith.cmpi ne, %convert_element_type3A, %cond3A : i32
      scf.if %cond3A_43 {
        %mul3A_168 = arith.constant 16384 : i32
        %mul3A_169 = arith.muli %select_n3A, %mul3A_168 : i32
        "tpu.region"() ({
          %run_scoped3A = tpu.sem_alloc : memref<!tpu.dma_semaphore, #tpu.memory_space<semaphore_mem>>
          %dma_start3A_170 = tpu.memref_slice %arg3[%mul3A_169] : memref<425984xi32, #tpu.memory_space<hbm>> -> memref<16384xi32, #tpu.memory_space<hbm>>
          %dma_start3A_171 = tpu.memref_slice %arg3[%mul3A_169] : memref<425984xi32, #tpu.memory_space<hbm>> -> memref<16384xi32, #tpu.memory_space<hbm>>
          tpu.enqueue_dma source(%dma_start3A_171 : memref<16384xi32, #tpu.memory_space<hbm>>) target(%arg6 : memref<16384xi32, #tpu.memory_space<vmem>>) target_semaphore(%run_scoped3A : memref<!tpu.dma_semaphore, #tpu.memory_space<semaphore_mem>>)
          %dma_wait3A_172 = tpu.memref_slice %arg3[%mul3A_169] : memref<425984xi32, #tpu.memory_space<hbm>> -> memref<16384xi32, #tpu.memory_space<hbm>>
          %dma_wait3A_173 = tpu.memref_slice %arg3[%mul3A_169] : memref<425984xi32, #tpu.memory_space<hbm>> -> memref<16384xi32, #tpu.memory_space<hbm>>
          tpu.wait_dma2 semaphore(%run_scoped3A : memref<!tpu.dma_semaphore, #tpu.memory_space<semaphore_mem>>) src(%dma_wait3A_173 : memref<16384xi32, #tpu.memory_space<hbm>>) dst(%arg6 : memref<16384xi32, #tpu.memory_space<vmem>>)
          tpu.yield
        }) : () -> ()
      } else {
      }
      %mul3A_44 = arith.constant 100000 : i32
      %mul3A_45 = arith.muli %add3A_11, %mul3A_44 : i32
      "tpu.region"() ({
        %run_scoped3A = tpu.sem_alloc : memref<!tpu.dma_semaphore, #tpu.memory_space<semaphore_mem>>
        %dma_start3A_168 = tpu.memref_slice %arg2[%mul3A_45] : memref<83200000xf32, #tpu.memory_space<hbm>> -> memref<100000xf32, #tpu.memory_space<hbm>>
        %dma_start3A_169 = tpu.memref_slice %arg2[%mul3A_45] : memref<83200000xf32, #tpu.memory_space<hbm>> -> memref<100000xf32, #tpu.memory_space<hbm>>
        tpu.enqueue_dma source(%dma_start3A_169 : memref<100000xf32, #tpu.memory_space<hbm>>) target(%arg5 : memref<100000xf32, #tpu.memory_space<vmem>>) target_semaphore(%run_scoped3A : memref<!tpu.dma_semaphore, #tpu.memory_space<semaphore_mem>>)
        %dma_wait3A_170 = tpu.memref_slice %arg2[%mul3A_45] : memref<83200000xf32, #tpu.memory_space<hbm>> -> memref<100000xf32, #tpu.memory_space<hbm>>
        %dma_wait3A_171 = tpu.memref_slice %arg2[%mul3A_45] : memref<83200000xf32, #tpu.memory_space<hbm>> -> memref<100000xf32, #tpu.memory_space<hbm>>
        tpu.wait_dma2 semaphore(%run_scoped3A : memref<!tpu.dma_semaphore, #tpu.memory_space<semaphore_mem>>) src(%dma_wait3A_171 : memref<100000xf32, #tpu.memory_space<hbm>>) dst(%arg5 : memref<100000xf32, #tpu.memory_space<vmem>>)
        tpu.yield
      }) : () -> ()
      %scan3A_46 = arith.constant 0 : i32
      %scan3A_47 = arith.constant 16 : i32
      %scan3A_48 = arith.addi %scan3A_46, %scan3A_47 : i32
      %scan3A_49 = arith.constant 1 : i32
      scf.for %scan3A_168 = %scan3A_46 to %scan3A_48 step %scan3A_49  : i32 {
        %mul3A_169 = arith.constant 256 : i32
        %mul3A_170 = arith.muli %scan3A_168, %mul3A_169 : i32
        %add3A_171 = arith.constant 0 : i32
        %add3A_172 = arith.addi %add3A_171, %mul3A_170 : i32
        %add3A_173 = arith.constant 0 : i32
        %add3A_174 = arith.addi %add3A_172, %add3A_173 : i32
        %get3A = arith.index_cast %add3A_174 : i32 to index
        %get3A_175 = tpu.vector_load %arg6[%get3A] {strides = array<i32>} : memref<16384xi32, #tpu.memory_space<vmem>>, vector<16xi32>,
        %gather3A = tpu.vector_load_idx %arg5[%get3A_175] : memref<100000xf32, #tpu.memory_space<vmem>>[vector<16xi32>], vector<16xf32>,
        %mul3A_176 = arith.constant 256 : i32
        %mul3A_177 = arith.muli %scan3A_168, %mul3A_176 : i32
        %add3A_178 = arith.constant 0 : i32
        %add3A_179 = arith.addi %mul3A_177, %add3A_178 : i32
        %swap3A = arith.constant 0 : i32
        %swap3A_180 = arith.index_cast %swap3A : i32 to index
        %swap3A_181 = arith.index_cast %add3A_179 : i32 to index
        %swap3A_182 = tpu.vector_load %arg7[%swap3A_180, %swap3A_181] {strides = array<i32>} : memref<2x4096xf32, #tpu.memory_space<vmem>>, vector<16xf32>,
        tpu.vector_store %arg7[%swap3A_180, %swap3A_181], %gather3A {strides = array<i32>} : memref<2x4096xf32, #tpu.memory_space<vmem>>, vector<16xf32>,
        %add3A_183 = arith.constant 16 : i32
        %add3A_184 = arith.addi %add3A_172, %add3A_183 : i32
        %get3A_185 = arith.index_cast %add3A_184 : i32 to index
        %get3A_186 = tpu.vector_load %arg6[%get3A_185] {strides = array<i32>} : memref<16384xi32, #tpu.memory_space<vmem>>, vector<16xi32>,
        %gather3A_187 = tpu.vector_load_idx %arg5[%get3A_186] : memref<100000xf32, #tpu.memory_space<vmem>>[vector<16xi32>], vector<16xf32>,
        %mul3A_188 = arith.constant 256 : i32
        %mul3A_189 = arith.muli %scan3A_168, %mul3A_188 : i32
        %add3A_190 = arith.constant 16 : i32
        %add3A_191 = arith.addi %mul3A_189, %add3A_190 : i32
        %swap3A_192 = arith.constant 0 : i32
        %swap3A_193 = arith.index_cast %swap3A_192 : i32 to index
        %swap3A_194 = arith.index_cast %add3A_191 : i32 to index
        %swap3A_195 = tpu.vector_load %arg7[%swap3A_193, %swap3A_194] {strides = array<i32>} : memref<2x4096xf32, #tpu.memory_space<vmem>>, vector<16xf32>,
        tpu.vector_store %arg7[%swap3A_193, %swap3A_194], %gather3A_187 {strides = array<i32>} : memref<2x4096xf32, #tpu.memory_space<vmem>>, vector<16xf32>,
        %add3A_196 = arith.constant 32 : i32
        %add3A_197 = arith.addi %add3A_172, %add3A_196 : i32
        %get3A_198 = arith.index_cast %add3A_197 : i32 to index
        %get3A_199 = tpu.vector_load %arg6[%get3A_198] {strides = array<i32>} : memref<16384xi32, #tpu.memory_space<vmem>>, vector<16xi32>,
        %gather3A_200 = tpu.vector_load_idx %arg5[%get3A_199] : memref<100000xf32, #tpu.memory_space<vmem>>[vector<16xi32>], vector<16xf32>,
        %mul3A_201 = arith.constant 256 : i32
        %mul3A_202 = arith.muli %scan3A_168, %mul3A_201 : i32
        %add3A_203 = arith.constant 32 : i32
        %add3A_204 = arith.addi %mul3A_202, %add3A_203 : i32
        %swap3A_205 = arith.constant 0 : i32
        %swap3A_206 = arith.index_cast %swap3A_205 : i32 to index
        %swap3A_207 = arith.index_cast %add3A_204 : i32 to index
        %swap3A_208 = tpu.vector_load %arg7[%swap3A_206, %swap3A_207] {strides = array<i32>} : memref<2x4096xf32, #tpu.memory_space<vmem>>, vector<16xf32>,
        tpu.vector_store %arg7[%swap3A_206, %swap3A_207], %gather3A_200 {strides = array<i32>} : memref<2x4096xf32, #tpu.memory_space<vmem>>, vector<16xf32>,
        %add3A_209 = arith.constant 48 : i32
        %add3A_210 = arith.addi %add3A_172, %add3A_209 : i32
        %get3A_211 = arith.index_cast %add3A_210 : i32 to index
        %get3A_212 = tpu.vector_load %arg6[%get3A_211] {strides = array<i32>} : memref<16384xi32, #tpu.memory_space<vmem>>, vector<16xi32>,
        %gather3A_213 = tpu.vector_load_idx %arg5[%get3A_212] : memref<100000xf32, #tpu.memory_space<vmem>>[vector<16xi32>], vector<16xf32>,
        %mul3A_214 = arith.constant 256 : i32
        %mul3A_215 = arith.muli %scan3A_168, %mul3A_214 : i32
        %add3A_216 = arith.constant 48 : i32
        %add3A_217 = arith.addi %mul3A_215, %add3A_216 : i32
        %swap3A_218 = arith.constant 0 : i32
        %swap3A_219 = arith.index_cast %swap3A_218 : i32 to index
        %swap3A_220 = arith.index_cast %add3A_217 : i32 to index
        %swap3A_221 = tpu.vector_load %arg7[%swap3A_219, %swap3A_220] {strides = array<i32>} : memref<2x4096xf32, #tpu.memory_space<vmem>>, vector<16xf32>,
        tpu.vector_store %arg7[%swap3A_219, %swap3A_220], %gather3A_213 {strides = array<i32>} : memref<2x4096xf32, #tpu.memory_space<vmem>>, vector<16xf32>,
        %add3A_222 = arith.constant 64 : i32
        %add3A_223 = arith.addi %add3A_172, %add3A_222 : i32
        %get3A_224 = arith.index_cast %add3A_223 : i32 to index
        %get3A_225 = tpu.vector_load %arg6[%get3A_224] {strides = array<i32>} : memref<16384xi32, #tpu.memory_space<vmem>>, vector<16xi32>,
        %gather3A_226 = tpu.vector_load_idx %arg5[%get3A_225] : memref<100000xf32, #tpu.memory_space<vmem>>[vector<16xi32>], vector<16xf32>,
        %mul3A_227 = arith.constant 256 : i32
        %mul3A_228 = arith.muli %scan3A_168, %mul3A_227 : i32
        %add3A_229 = arith.constant 64 : i32
        %add3A_230 = arith.addi %mul3A_228, %add3A_229 : i32
        %swap3A_231 = arith.constant 0 : i32
        %swap3A_232 = arith.index_cast %swap3A_231 : i32 to index
        %swap3A_233 = arith.index_cast %add3A_230 : i32 to index
        %swap3A_234 = tpu.vector_load %arg7[%swap3A_232, %swap3A_233] {strides = array<i32>} : memref<2x4096xf32, #tpu.memory_space<vmem>>, vector<16xf32>,
        tpu.vector_store %arg7[%swap3A_232, %swap3A_233], %gather3A_226 {strides = array<i32>} : memref<2x4096xf32, #tpu.memory_space<vmem>>, vector<16xf32>,
        %add3A_235 = arith.constant 80 : i32
        %add3A_236 = arith.addi %add3A_172, %add3A_235 : i32
        %get3A_237 = arith.index_cast %add3A_236 : i32 to index
        %get3A_238 = tpu.vector_load %arg6[%get3A_237] {strides = array<i32>} : memref<16384xi32, #tpu.memory_space<vmem>>, vector<16xi32>,
        %gather3A_239 = tpu.vector_load_idx %arg5[%get3A_238] : memref<100000xf32, #tpu.memory_space<vmem>>[vector<16xi32>], vector<16xf32>,
        %mul3A_240 = arith.constant 256 : i32
        %mul3A_241 = arith.muli %scan3A_168, %mul3A_240 : i32
        %add3A_242 = arith.constant 80 : i32
        %add3A_243 = arith.addi %mul3A_241, %add3A_242 : i32
        %swap3A_244 = arith.constant 0 : i32
        %swap3A_245 = arith.index_cast %swap3A_244 : i32 to index
        %swap3A_246 = arith.index_cast %add3A_243 : i32 to index
        %swap3A_247 = tpu.vector_load %arg7[%swap3A_245, %swap3A_246] {strides = array<i32>} : memref<2x4096xf32, #tpu.memory_space<vmem>>, vector<16xf32>,
        tpu.vector_store %arg7[%swap3A_245, %swap3A_246], %gather3A_239 {strides = array<i32>} : memref<2x4096xf32, #tpu.memory_space<vmem>>, vector<16xf32>,
        %add3A_248 = arith.constant 96 : i32
        %add3A_249 = arith.addi %add3A_172, %add3A_248 : i32
        %get3A_250 = arith.index_cast %add3A_249 : i32 to index
        %get3A_251 = tpu.vector_load %arg6[%get3A_250] {strides = array<i32>} : memref<16384xi32, #tpu.memory_space<vmem>>, vector<16xi32>,
        %gather3A_252 = tpu.vector_load_idx %arg5[%get3A_251] : memref<100000xf32, #tpu.memory_space<vmem>>[vector<16xi32>], vector<16xf32>,
        %mul3A_253 = arith.constant 256 : i32
        %mul3A_254 = arith.muli %scan3A_168, %mul3A_253 : i32
        %add3A_255 = arith.constant 96 : i32
        %add3A_256 = arith.addi %mul3A_254, %add3A_255 : i32
        %swap3A_257 = arith.constant 0 : i32
        %swap3A_258 = arith.index_cast %swap3A_257 : i32 to index
        %swap3A_259 = arith.index_cast %add3A_256 : i32 to index
        %swap3A_260 = tpu.vector_load %arg7[%swap3A_258, %swap3A_259] {strides = array<i32>} : memref<2x4096xf32, #tpu.memory_space<vmem>>, vector<16xf32>,
        tpu.vector_store %arg7[%swap3A_258, %swap3A_259], %gather3A_252 {strides = array<i32>} : memref<2x4096xf32, #tpu.memory_space<vmem>>, vector<16xf32>,
        %add3A_261 = arith.constant 112 : i32
        %add3A_262 = arith.addi %add3A_172, %add3A_261 : i32
        %get3A_263 = arith.index_cast %add3A_262 : i32 to index
        %get3A_264 = tpu.vector_load %arg6[%get3A_263] {strides = array<i32>} : memref<16384xi32, #tpu.memory_space<vmem>>, vector<16xi32>,
        %gather3A_265 = tpu.vector_load_idx %arg5[%get3A_264] : memref<100000xf32, #tpu.memory_space<vmem>>[vector<16xi32>], vector<16xf32>,
        %mul3A_266 = arith.constant 256 : i32
        %mul3A_267 = arith.muli %scan3A_168, %mul3A_266 : i32
        %add3A_268 = arith.constant 112 : i32
        %add3A_269 = arith.addi %mul3A_267, %add3A_268 : i32
        %swap3A_270 = arith.constant 0 : i32
        %swap3A_271 = arith.index_cast %swap3A_270 : i32 to index
        %swap3A_272 = arith.index_cast %add3A_269 : i32 to index
        %swap3A_273 = tpu.vector_load %arg7[%swap3A_271, %swap3A_272] {strides = array<i32>} : memref<2x4096xf32, #tpu.memory_space<vmem>>, vector<16xf32>,
        tpu.vector_store %arg7[%swap3A_271, %swap3A_272], %gather3A_265 {strides = array<i32>} : memref<2x4096xf32, #tpu.memory_space<vmem>>, vector<16xf32>,
        %add3A_274 = arith.constant 128 : i32
        %add3A_275 = arith.addi %add3A_172, %add3A_274 : i32
        %get3A_276 = arith.index_cast %add3A_275 : i32 to index
        %get3A_277 = tpu.vector_load %arg6[%get3A_276] {strides = array<i32>} : memref<16384xi32, #tpu.memory_space<vmem>>, vector<16xi32>,
        %gather3A_278 = tpu.vector_load_idx %arg5[%get3A_277] : memref<100000xf32, #tpu.memory_space<vmem>>[vector<16xi32>], vector<16xf32>,
        %mul3A_279 = arith.constant 256 : i32
        %mul3A_280 = arith.muli %scan3A_168, %mul3A_279 : i32
        %add3A_281 = arith.constant 128 : i32
        %add3A_282 = arith.addi %mul3A_280, %add3A_281 : i32
        %swap3A_283 = arith.constant 0 : i32
        %swap3A_284 = arith.index_cast %swap3A_283 : i32 to index
        %swap3A_285 = arith.index_cast %add3A_282 : i32 to index
        %swap3A_286 = tpu.vector_load %arg7[%swap3A_284, %swap3A_285] {strides = array<i32>} : memref<2x4096xf32, #tpu.memory_space<vmem>>, vector<16xf32>,
        tpu.vector_store %arg7[%swap3A_284, %swap3A_285], %gather3A_278 {strides = array<i32>} : memref<2x4096xf32, #tpu.memory_space<vmem>>, vector<16xf32>,
        %add3A_287 = arith.constant 144 : i32
        %add3A_288 = arith.addi %add3A_172, %add3A_287 : i32
        %get3A_289 = arith.index_cast %add3A_288 : i32 to index
        %get3A_290 = tpu.vector_load %arg6[%get3A_289] {strides = array<i32>} : memref<16384xi32, #tpu.memory_space<vmem>>, vector<16xi32>,
        %gather3A_291 = tpu.vector_load_idx %arg5[%get3A_290] : memref<100000xf32, #tpu.memory_space<vmem>>[vector<16xi32>], vector<16xf32>,
        %mul3A_292 = arith.constant 256 : i32
        %mul3A_293 = arith.muli %scan3A_168, %mul3A_292 : i32
        %add3A_294 = arith.constant 144 : i32
        %add3A_295 = arith.addi %mul3A_293, %add3A_294 : i32
        %swap3A_296 = arith.constant 0 : i32
        %swap3A_297 = arith.index_cast %swap3A_296 : i32 to index
        %swap3A_298 = arith.index_cast %add3A_295 : i32 to index
        %swap3A_299 = tpu.vector_load %arg7[%swap3A_297, %swap3A_298] {strides = array<i32>} : memref<2x4096xf32, #tpu.memory_space<vmem>>, vector<16xf32>,
        tpu.vector_store %arg7[%swap3A_297, %swap3A_298], %gather3A_291 {strides = array<i32>} : memref<2x4096xf32, #tpu.memory_space<vmem>>, vector<16xf32>,
        %add3A_300 = arith.constant 160 : i32
        %add3A_301 = arith.addi %add3A_172, %add3A_300 : i32
        %get3A_302 = arith.index_cast %add3A_301 : i32 to index
        %get3A_303 = tpu.vector_load %arg6[%get3A_302] {strides = array<i32>} : memref<16384xi32, #tpu.memory_space<vmem>>, vector<16xi32>,
        %gather3A_304 = tpu.vector_load_idx %arg5[%get3A_303] : memref<100000xf32, #tpu.memory_space<vmem>>[vector<16xi32>], vector<16xf32>,
        %mul3A_305 = arith.constant 256 : i32
        %mul3A_306 = arith.muli %scan3A_168, %mul3A_305 : i32
        %add3A_307 = arith.constant 160 : i32
        %add3A_308 = arith.addi %mul3A_306, %add3A_307 : i32
        %swap3A_309 = arith.constant 0 : i32
        %swap3A_310 = arith.index_cast %swap3A_309 : i32 to index
        %swap3A_311 = arith.index_cast %add3A_308 : i32 to index
        %swap3A_312 = tpu.vector_load %arg7[%swap3A_310, %swap3A_311] {strides = array<i32>} : memref<2x4096xf32, #tpu.memory_space<vmem>>, vector<16xf32>,
        tpu.vector_store %arg7[%swap3A_310, %swap3A_311], %gather3A_304 {strides = array<i32>} : memref<2x4096xf32, #tpu.memory_space<vmem>>, vector<16xf32>,
        %add3A_313 = arith.constant 176 : i32
        %add3A_314 = arith.addi %add3A_172, %add3A_313 : i32
        %get3A_315 = arith.index_cast %add3A_314 : i32 to index
        %get3A_316 = tpu.vector_load %arg6[%get3A_315] {strides = array<i32>} : memref<16384xi32, #tpu.memory_space<vmem>>, vector<16xi32>,
        %gather3A_317 = tpu.vector_load_idx %arg5[%get3A_316] : memref<100000xf32, #tpu.memory_space<vmem>>[vector<16xi32>], vector<16xf32>,
        %mul3A_318 = arith.constant 256 : i32
        %mul3A_319 = arith.muli %scan3A_168, %mul3A_318 : i32
        %add3A_320 = arith.constant 176 : i32
        %add3A_321 = arith.addi %mul3A_319, %add3A_320 : i32
        %swap3A_322 = arith.constant 0 : i32
        %swap3A_323 = arith.index_cast %swap3A_322 : i32 to index
        %swap3A_324 = arith.index_cast %add3A_321 : i32 to index
        %swap3A_325 = tpu.vector_load %arg7[%swap3A_323, %swap3A_324] {strides = array<i32>} : memref<2x4096xf32, #tpu.memory_space<vmem>>, vector<16xf32>,
        tpu.vector_store %arg7[%swap3A_323, %swap3A_324], %gather3A_317 {strides = array<i32>} : memref<2x4096xf32, #tpu.memory_space<vmem>>, vector<16xf32>,
        %add3A_326 = arith.constant 192 : i32
        %add3A_327 = arith.addi %add3A_172, %add3A_326 : i32
        %get3A_328 = arith.index_cast %add3A_327 : i32 to index
        %get3A_329 = tpu.vector_load %arg6[%get3A_328] {strides = array<i32>} : memref<16384xi32, #tpu.memory_space<vmem>>, vector<16xi32>,
        %gather3A_330 = tpu.vector_load_idx %arg5[%get3A_329] : memref<100000xf32, #tpu.memory_space<vmem>>[vector<16xi32>], vector<16xf32>,
        %mul3A_331 = arith.constant 256 : i32
        %mul3A_332 = arith.muli %scan3A_168, %mul3A_331 : i32
        %add3A_333 = arith.constant 192 : i32
        %add3A_334 = arith.addi %mul3A_332, %add3A_333 : i32
        %swap3A_335 = arith.constant 0 : i32
        %swap3A_336 = arith.index_cast %swap3A_335 : i32 to index
        %swap3A_337 = arith.index_cast %add3A_334 : i32 to index
        %swap3A_338 = tpu.vector_load %arg7[%swap3A_336, %swap3A_337] {strides = array<i32>} : memref<2x4096xf32, #tpu.memory_space<vmem>>, vector<16xf32>,
        tpu.vector_store %arg7[%swap3A_336, %swap3A_337], %gather3A_330 {strides = array<i32>} : memref<2x4096xf32, #tpu.memory_space<vmem>>, vector<16xf32>,
        %add3A_339 = arith.constant 208 : i32
        %add3A_340 = arith.addi %add3A_172, %add3A_339 : i32
        %get3A_341 = arith.index_cast %add3A_340 : i32 to index
        %get3A_342 = tpu.vector_load %arg6[%get3A_341] {strides = array<i32>} : memref<16384xi32, #tpu.memory_space<vmem>>, vector<16xi32>,
        %gather3A_343 = tpu.vector_load_idx %arg5[%get3A_342] : memref<100000xf32, #tpu.memory_space<vmem>>[vector<16xi32>], vector<16xf32>,
        %mul3A_344 = arith.constant 256 : i32
        %mul3A_345 = arith.muli %scan3A_168, %mul3A_344 : i32
        %add3A_346 = arith.constant 208 : i32
        %add3A_347 = arith.addi %mul3A_345, %add3A_346 : i32
        %swap3A_348 = arith.constant 0 : i32
        %swap3A_349 = arith.index_cast %swap3A_348 : i32 to index
        %swap3A_350 = arith.index_cast %add3A_347 : i32 to index
        %swap3A_351 = tpu.vector_load %arg7[%swap3A_349, %swap3A_350] {strides = array<i32>} : memref<2x4096xf32, #tpu.memory_space<vmem>>, vector<16xf32>,
        tpu.vector_store %arg7[%swap3A_349, %swap3A_350], %gather3A_343 {strides = array<i32>} : memref<2x4096xf32, #tpu.memory_space<vmem>>, vector<16xf32>,
        %add3A_352 = arith.constant 224 : i32
        %add3A_353 = arith.addi %add3A_172, %add3A_352 : i32
        %get3A_354 = arith.index_cast %add3A_353 : i32 to index
        %get3A_355 = tpu.vector_load %arg6[%get3A_354] {strides = array<i32>} : memref<16384xi32, #tpu.memory_space<vmem>>, vector<16xi32>,
        %gather3A_356 = tpu.vector_load_idx %arg5[%get3A_355] : memref<100000xf32, #tpu.memory_space<vmem>>[vector<16xi32>], vector<16xf32>,
        %mul3A_357 = arith.constant 256 : i32
        %mul3A_358 = arith.muli %scan3A_168, %mul3A_357 : i32
        %add3A_359 = arith.constant 224 : i32
        %add3A_360 = arith.addi %mul3A_358, %add3A_359 : i32
        %swap3A_361 = arith.constant 0 : i32
        %swap3A_362 = arith.index_cast %swap3A_361 : i32 to index
        %swap3A_363 = arith.index_cast %add3A_360 : i32 to index
        %swap3A_364 = tpu.vector_load %arg7[%swap3A_362, %swap3A_363] {strides = array<i32>} : memref<2x4096xf32, #tpu.memory_space<vmem>>, vector<16xf32>,
        tpu.vector_store %arg7[%swap3A_362, %swap3A_363], %gather3A_356 {strides = array<i32>} : memref<2x4096xf32, #tpu.memory_space<vmem>>, vector<16xf32>,
        %add3A_365 = arith.constant 240 : i32
        %add3A_366 = arith.addi %add3A_172, %add3A_365 : i32
        %get3A_367 = arith.index_cast %add3A_366 : i32 to index
        %get3A_368 = tpu.vector_load %arg6[%get3A_367] {strides = array<i32>} : memref<16384xi32, #tpu.memory_space<vmem>>, vector<16xi32>,
        %gather3A_369 = tpu.vector_load_idx %arg5[%get3A_368] : memref<100000xf32, #tpu.memory_space<vmem>>[vector<16xi32>], vector<16xf32>,
        %mul3A_370 = arith.constant 256 : i32
        %mul3A_371 = arith.muli %scan3A_168, %mul3A_370 : i32
        %add3A_372 = arith.constant 240 : i32
        %add3A_373 = arith.addi %mul3A_371, %add3A_372 : i32
        %swap3A_374 = arith.constant 0 : i32
        %swap3A_375 = arith.index_cast %swap3A_374 : i32 to index
        %swap3A_376 = arith.index_cast %add3A_373 : i32 to index
        %swap3A_377 = tpu.vector_load %arg7[%swap3A_375, %swap3A_376] {strides = array<i32>} : memref<2x4096xf32, #tpu.memory_space<vmem>>, vector<16xf32>,
        tpu.vector_store %arg7[%swap3A_375, %swap3A_376], %gather3A_369 {strides = array<i32>} : memref<2x4096xf32, #tpu.memory_space<vmem>>, vector<16xf32>,
      }
      %scan3A_50 = arith.constant 16 : i32
      %mul3A_51 = arith.constant 16384 : i32
      %mul3A_52 = arith.muli %add3A_11, %mul3A_51 : i32
      %add3A_53 = arith.constant 0 : i32
      %add3A_54 = arith.addi %mul3A_52, %add3A_53 : i32
      %dma_start3A = arith.constant 0 : i32
      %dma_start3A_55 = arith.constant 0 : i32
      %dma_start3A_56 = tpu.memref_slice %arg7[%dma_start3A, %dma_start3A_55] : memref<2x4096xf32, #tpu.memory_space<vmem>> -> memref<1x4096xf32, #tpu.memory_space<vmem>>
      %dma_start3A_57 = tpu.memref_squeeze %dma_start3A_56 : memref<1x4096xf32, #tpu.memory_space<vmem>> -> memref<4096xf32, #tpu.memory_space<vmem>>
      %dma_start3A_58 = tpu.memref_slice %arg4[%add3A_54] : memref<13631488xf32, #tpu.memory_space<hbm>> -> memref<4096xf32, #tpu.memory_space<hbm>>
      %dma_start3A_59 = tpu.memref_slice %arg4[%add3A_54] : memref<13631488xf32, #tpu.memory_space<hbm>> -> memref<4096xf32, #tpu.memory_space<hbm>>
      %dma_start3A_60 = arith.constant 0 : i32
      %dma_start3A_61 = tpu.memref_slice %arg7[%dma_start3A, %dma_start3A_60] : memref<2x4096xf32, #tpu.memory_space<vmem>> -> memref<1x4096xf32, #tpu.memory_space<vmem>>
      %dma_start3A_62 = tpu.memref_squeeze %dma_start3A_61 : memref<1x4096xf32, #tpu.memory_space<vmem>> -> memref<4096xf32, #tpu.memory_space<vmem>>
      tpu.enqueue_dma source(%dma_start3A_62 : memref<4096xf32, #tpu.memory_space<vmem>>) target(%dma_start3A_59 : memref<4096xf32, #tpu.memory_space<hbm>>) target_semaphore(%arg8 : memref<!tpu.dma_semaphore, #tpu.memory_space<semaphore_mem>>)
      %scan3A_63 = arith.constant 0 : i32
      %scan3A_64 = arith.constant 16 : i32
      %scan3A_65 = arith.addi %scan3A_63, %scan3A_64 : i32
      %scan3A_66 = arith.constant 1 : i32
      scf.for %scan3A_168 = %scan3A_63 to %scan3A_65 step %scan3A_66  : i32 {
        %mul3A_169 = arith.constant 256 : i32
        %mul3A_170 = arith.muli %scan3A_168, %mul3A_169 : i32
        %add3A_171 = arith.constant 4096 : i32
        %add3A_172 = arith.addi %add3A_171, %mul3A_170 : i32
        %add3A_173 = arith.constant 0 : i32
        %add3A_174 = arith.addi %add3A_172, %add3A_173 : i32
        %get3A = arith.index_cast %add3A_174 : i32 to index
        %get3A_175 = tpu.vector_load %arg6[%get3A] {strides = array<i32>} : memref<16384xi32, #tpu.memory_space<vmem>>, vector<16xi32>,
        %gather3A = tpu.vector_load_idx %arg5[%get3A_175] : memref<100000xf32, #tpu.memory_space<vmem>>[vector<16xi32>], vector<16xf32>,
        %mul3A_176 = arith.constant 256 : i32
        %mul3A_177 = arith.muli %scan3A_168, %mul3A_176 : i32
        %add3A_178 = arith.constant 0 : i32
        %add3A_179 = arith.addi %mul3A_177, %add3A_178 : i32
        %swap3A = arith.constant 1 : i32
        %swap3A_180 = arith.index_cast %swap3A : i32 to index
        %swap3A_181 = arith.index_cast %add3A_179 : i32 to index
        %swap3A_182 = tpu.vector_load %arg7[%swap3A_180, %swap3A_181] {strides = array<i32>} : memref<2x4096xf32, #tpu.memory_space<vmem>>, vector<16xf32>,
        tpu.vector_store %arg7[%swap3A_180, %swap3A_181], %gather3A {strides = array<i32>} : memref<2x4096xf32, #tpu.memory_space<vmem>>, vector<16xf32>,
        %add3A_183 = arith.constant 16 : i32
        %add3A_184 = arith.addi %add3A_172, %add3A_183 : i32
        %get3A_185 = arith.index_cast %add3A_184 : i32 to index
        %get3A_186 = tpu.vector_load %arg6[%get3A_185] {strides = array<i32>} : memref<16384xi32, #tpu.memory_space<vmem>>, vector<16xi32>,
        %gather3A_187 = tpu.vector_load_idx %arg5[%get3A_186] : memref<100000xf32, #tpu.memory_space<vmem>>[vector<16xi32>], vector<16xf32>,
        %mul3A_188 = arith.constant 256 : i32
        %mul3A_189 = arith.muli %scan3A_168, %mul3A_188 : i32
        %add3A_190 = arith.constant 16 : i32
        %add3A_191 = arith.addi %mul3A_189, %add3A_190 : i32
        %swap3A_192 = arith.constant 1 : i32
        %swap3A_193 = arith.index_cast %swap3A_192 : i32 to index
        %swap3A_194 = arith.index_cast %add3A_191 : i32 to index
        %swap3A_195 = tpu.vector_load %arg7[%swap3A_193, %swap3A_194] {strides = array<i32>} : memref<2x4096xf32, #tpu.memory_space<vmem>>, vector<16xf32>,
        tpu.vector_store %arg7[%swap3A_193, %swap3A_194], %gather3A_187 {strides = array<i32>} : memref<2x4096xf32, #tpu.memory_space<vmem>>, vector<16xf32>,
        %add3A_196 = arith.constant 32 : i32
        %add3A_197 = arith.addi %add3A_172, %add3A_196 : i32
        %get3A_198 = arith.index_cast %add3A_197 : i32 to index
        %get3A_199 = tpu.vector_load %arg6[%get3A_198] {strides = array<i32>} : memref<16384xi32, #tpu.memory_space<vmem>>, vector<16xi32>,
        %gather3A_200 = tpu.vector_load_idx %arg5[%get3A_199] : memref<100000xf32, #tpu.memory_space<vmem>>[vector<16xi32>], vector<16xf32>,
        %mul3A_201 = arith.constant 256 : i32
        %mul3A_202 = arith.muli %scan3A_168, %mul3A_201 : i32
        %add3A_203 = arith.constant 32 : i32
        %add3A_204 = arith.addi %mul3A_202, %add3A_203 : i32
        %swap3A_205 = arith.constant 1 : i32
        %swap3A_206 = arith.index_cast %swap3A_205 : i32 to index
        %swap3A_207 = arith.index_cast %add3A_204 : i32 to index
        %swap3A_208 = tpu.vector_load %arg7[%swap3A_206, %swap3A_207] {strides = array<i32>} : memref<2x4096xf32, #tpu.memory_space<vmem>>, vector<16xf32>,
        tpu.vector_store %arg7[%swap3A_206, %swap3A_207], %gather3A_200 {strides = array<i32>} : memref<2x4096xf32, #tpu.memory_space<vmem>>, vector<16xf32>,
        %add3A_209 = arith.constant 48 : i32
        %add3A_210 = arith.addi %add3A_172, %add3A_209 : i32
        %get3A_211 = arith.index_cast %add3A_210 : i32 to index
        %get3A_212 = tpu.vector_load %arg6[%get3A_211] {strides = array<i32>} : memref<16384xi32, #tpu.memory_space<vmem>>, vector<16xi32>,
        %gather3A_213 = tpu.vector_load_idx %arg5[%get3A_212] : memref<100000xf32, #tpu.memory_space<vmem>>[vector<16xi32>], vector<16xf32>,
        %mul3A_214 = arith.constant 256 : i32
        %mul3A_215 = arith.muli %scan3A_168, %mul3A_214 : i32
        %add3A_216 = arith.constant 48 : i32
        %add3A_217 = arith.addi %mul3A_215, %add3A_216 : i32
        %swap3A_218 = arith.constant 1 : i32
        %swap3A_219 = arith.index_cast %swap3A_218 : i32 to index
        %swap3A_220 = arith.index_cast %add3A_217 : i32 to index
        %swap3A_221 = tpu.vector_load %arg7[%swap3A_219, %swap3A_220] {strides = array<i32>} : memref<2x4096xf32, #tpu.memory_space<vmem>>, vector<16xf32>,
        tpu.vector_store %arg7[%swap3A_219, %swap3A_220], %gather3A_213 {strides = array<i32>} : memref<2x4096xf32, #tpu.memory_space<vmem>>, vector<16xf32>,
        %add3A_222 = arith.constant 64 : i32
        %add3A_223 = arith.addi %add3A_172, %add3A_222 : i32
        %get3A_224 = arith.index_cast %add3A_223 : i32 to index
        %get3A_225 = tpu.vector_load %arg6[%get3A_224] {strides = array<i32>} : memref<16384xi32, #tpu.memory_space<vmem>>, vector<16xi32>,
        %gather3A_226 = tpu.vector_load_idx %arg5[%get3A_225] : memref<100000xf32, #tpu.memory_space<vmem>>[vector<16xi32>], vector<16xf32>,
        %mul3A_227 = arith.constant 256 : i32
        %mul3A_228 = arith.muli %scan3A_168, %mul3A_227 : i32
        %add3A_229 = arith.constant 64 : i32
        %add3A_230 = arith.addi %mul3A_228, %add3A_229 : i32
        %swap3A_231 = arith.constant 1 : i32
        %swap3A_232 = arith.index_cast %swap3A_231 : i32 to index
        %swap3A_233 = arith.index_cast %add3A_230 : i32 to index
        %swap3A_234 = tpu.vector_load %arg7[%swap3A_232, %swap3A_233] {strides = array<i32>} : memref<2x4096xf32, #tpu.memory_space<vmem>>, vector<16xf32>,
        tpu.vector_store %arg7[%swap3A_232, %swap3A_233], %gather3A_226 {strides = array<i32>} : memref<2x4096xf32, #tpu.memory_space<vmem>>, vector<16xf32>,
        %add3A_235 = arith.constant 80 : i32
        %add3A_236 = arith.addi %add3A_172, %add3A_235 : i32
        %get3A_237 = arith.index_cast %add3A_236 : i32 to index
        %get3A_238 = tpu.vector_load %arg6[%get3A_237] {strides = array<i32>} : memref<16384xi32, #tpu.memory_space<vmem>>, vector<16xi32>,
        %gather3A_239 = tpu.vector_load_idx %arg5[%get3A_238] : memref<100000xf32, #tpu.memory_space<vmem>>[vector<16xi32>], vector<16xf32>,
        %mul3A_240 = arith.constant 256 : i32
        %mul3A_241 = arith.muli %scan3A_168, %mul3A_240 : i32
        %add3A_242 = arith.constant 80 : i32
        %add3A_243 = arith.addi %mul3A_241, %add3A_242 : i32
        %swap3A_244 = arith.constant 1 : i32
        %swap3A_245 = arith.index_cast %swap3A_244 : i32 to index
        %swap3A_246 = arith.index_cast %add3A_243 : i32 to index
        %swap3A_247 = tpu.vector_load %arg7[%swap3A_245, %swap3A_246] {strides = array<i32>} : memref<2x4096xf32, #tpu.memory_space<vmem>>, vector<16xf32>,
        tpu.vector_store %arg7[%swap3A_245, %swap3A_246], %gather3A_239 {strides = array<i32>} : memref<2x4096xf32, #tpu.memory_space<vmem>>, vector<16xf32>,
        %add3A_248 = arith.constant 96 : i32
        %add3A_249 = arith.addi %add3A_172, %add3A_248 : i32
        %get3A_250 = arith.index_cast %add3A_249 : i32 to index
        %get3A_251 = tpu.vector_load %arg6[%get3A_250] {strides = array<i32>} : memref<16384xi32, #tpu.memory_space<vmem>>, vector<16xi32>,
        %gather3A_252 = tpu.vector_load_idx %arg5[%get3A_251] : memref<100000xf32, #tpu.memory_space<vmem>>[vector<16xi32>], vector<16xf32>,
        %mul3A_253 = arith.constant 256 : i32
        %mul3A_254 = arith.muli %scan3A_168, %mul3A_253 : i32
        %add3A_255 = arith.constant 96 : i32
        %add3A_256 = arith.addi %mul3A_254, %add3A_255 : i32
        %swap3A_257 = arith.constant 1 : i32
        %swap3A_258 = arith.index_cast %swap3A_257 : i32 to index
        %swap3A_259 = arith.index_cast %add3A_256 : i32 to index
        %swap3A_260 = tpu.vector_load %arg7[%swap3A_258, %swap3A_259] {strides = array<i32>} : memref<2x4096xf32, #tpu.memory_space<vmem>>, vector<16xf32>,
        tpu.vector_store %arg7[%swap3A_258, %swap3A_259], %gather3A_252 {strides = array<i32>} : memref<2x4096xf32, #tpu.memory_space<vmem>>, vector<16xf32>,
        %add3A_261 = arith.constant 112 : i32
        %add3A_262 = arith.addi %add3A_172, %add3A_261 : i32
        %get3A_263 = arith.index_cast %add3A_262 : i32 to index
        %get3A_264 = tpu.vector_load %arg6[%get3A_263] {strides = array<i32>} : memref<16384xi32, #tpu.memory_space<vmem>>, vector<16xi32>,
        %gather3A_265 = tpu.vector_load_idx %arg5[%get3A_264] : memref<100000xf32, #tpu.memory_space<vmem>>[vector<16xi32>], vector<16xf32>,
        %mul3A_266 = arith.constant 256 : i32
        %mul3A_267 = arith.muli %scan3A_168, %mul3A_266 : i32
        %add3A_268 = arith.constant 112 : i32
        %add3A_269 = arith.addi %mul3A_267, %add3A_268 : i32
        %swap3A_270 = arith.constant 1 : i32
        %swap3A_271 = arith.index_cast %swap3A_270 : i32 to index
        %swap3A_272 = arith.index_cast %add3A_269 : i32 to index
        %swap3A_273 = tpu.vector_load %arg7[%swap3A_271, %swap3A_272] {strides = array<i32>} : memref<2x4096xf32, #tpu.memory_space<vmem>>, vector<16xf32>,
        tpu.vector_store %arg7[%swap3A_271, %swap3A_272], %gather3A_265 {strides = array<i32>} : memref<2x4096xf32, #tpu.memory_space<vmem>>, vector<16xf32>,
        %add3A_274 = arith.constant 128 : i32
        %add3A_275 = arith.addi %add3A_172, %add3A_274 : i32
        %get3A_276 = arith.index_cast %add3A_275 : i32 to index
        %get3A_277 = tpu.vector_load %arg6[%get3A_276] {strides = array<i32>} : memref<16384xi32, #tpu.memory_space<vmem>>, vector<16xi32>,
        %gather3A_278 = tpu.vector_load_idx %arg5[%get3A_277] : memref<100000xf32, #tpu.memory_space<vmem>>[vector<16xi32>], vector<16xf32>,
        %mul3A_279 = arith.constant 256 : i32
        %mul3A_280 = arith.muli %scan3A_168, %mul3A_279 : i32
        %add3A_281 = arith.constant 128 : i32
        %add3A_282 = arith.addi %mul3A_280, %add3A_281 : i32
        %swap3A_283 = arith.constant 1 : i32
        %swap3A_284 = arith.index_cast %swap3A_283 : i32 to index
        %swap3A_285 = arith.index_cast %add3A_282 : i32 to index
        %swap3A_286 = tpu.vector_load %arg7[%swap3A_284, %swap3A_285] {strides = array<i32>} : memref<2x4096xf32, #tpu.memory_space<vmem>>, vector<16xf32>,
        tpu.vector_store %arg7[%swap3A_284, %swap3A_285], %gather3A_278 {strides = array<i32>} : memref<2x4096xf32, #tpu.memory_space<vmem>>, vector<16xf32>,
        %add3A_287 = arith.constant 144 : i32
        %add3A_288 = arith.addi %add3A_172, %add3A_287 : i32
        %get3A_289 = arith.index_cast %add3A_288 : i32 to index
        %get3A_290 = tpu.vector_load %arg6[%get3A_289] {strides = array<i32>} : memref<16384xi32, #tpu.memory_space<vmem>>, vector<16xi32>,
        %gather3A_291 = tpu.vector_load_idx %arg5[%get3A_290] : memref<100000xf32, #tpu.memory_space<vmem>>[vector<16xi32>], vector<16xf32>,
        %mul3A_292 = arith.constant 256 : i32
        %mul3A_293 = arith.muli %scan3A_168, %mul3A_292 : i32
        %add3A_294 = arith.constant 144 : i32
        %add3A_295 = arith.addi %mul3A_293, %add3A_294 : i32
        %swap3A_296 = arith.constant 1 : i32
        %swap3A_297 = arith.index_cast %swap3A_296 : i32 to index
        %swap3A_298 = arith.index_cast %add3A_295 : i32 to index
        %swap3A_299 = tpu.vector_load %arg7[%swap3A_297, %swap3A_298] {strides = array<i32>} : memref<2x4096xf32, #tpu.memory_space<vmem>>, vector<16xf32>,
        tpu.vector_store %arg7[%swap3A_297, %swap3A_298], %gather3A_291 {strides = array<i32>} : memref<2x4096xf32, #tpu.memory_space<vmem>>, vector<16xf32>,
        %add3A_300 = arith.constant 160 : i32
        %add3A_301 = arith.addi %add3A_172, %add3A_300 : i32
        %get3A_302 = arith.index_cast %add3A_301 : i32 to index
        %get3A_303 = tpu.vector_load %arg6[%get3A_302] {strides = array<i32>} : memref<16384xi32, #tpu.memory_space<vmem>>, vector<16xi32>,
        %gather3A_304 = tpu.vector_load_idx %arg5[%get3A_303] : memref<100000xf32, #tpu.memory_space<vmem>>[vector<16xi32>], vector<16xf32>,
        %mul3A_305 = arith.constant 256 : i32
        %mul3A_306 = arith.muli %scan3A_168, %mul3A_305 : i32
        %add3A_307 = arith.constant 160 : i32
        %add3A_308 = arith.addi %mul3A_306, %add3A_307 : i32
        %swap3A_309 = arith.constant 1 : i32
        %swap3A_310 = arith.index_cast %swap3A_309 : i32 to index
        %swap3A_311 = arith.index_cast %add3A_308 : i32 to index
        %swap3A_312 = tpu.vector_load %arg7[%swap3A_310, %swap3A_311] {strides = array<i32>} : memref<2x4096xf32, #tpu.memory_space<vmem>>, vector<16xf32>,
        tpu.vector_store %arg7[%swap3A_310, %swap3A_311], %gather3A_304 {strides = array<i32>} : memref<2x4096xf32, #tpu.memory_space<vmem>>, vector<16xf32>,
        %add3A_313 = arith.constant 176 : i32
        %add3A_314 = arith.addi %add3A_172, %add3A_313 : i32
        %get3A_315 = arith.index_cast %add3A_314 : i32 to index
        %get3A_316 = tpu.vector_load %arg6[%get3A_315] {strides = array<i32>} : memref<16384xi32, #tpu.memory_space<vmem>>, vector<16xi32>,
        %gather3A_317 = tpu.vector_load_idx %arg5[%get3A_316] : memref<100000xf32, #tpu.memory_space<vmem>>[vector<16xi32>], vector<16xf32>,
        %mul3A_318 = arith.constant 256 : i32
        %mul3A_319 = arith.muli %scan3A_168, %mul3A_318 : i32
        %add3A_320 = arith.constant 176 : i32
        %add3A_321 = arith.addi %mul3A_319, %add3A_320 : i32
        %swap3A_322 = arith.constant 1 : i32
        %swap3A_323 = arith.index_cast %swap3A_322 : i32 to index
        %swap3A_324 = arith.index_cast %add3A_321 : i32 to index
        %swap3A_325 = tpu.vector_load %arg7[%swap3A_323, %swap3A_324] {strides = array<i32>} : memref<2x4096xf32, #tpu.memory_space<vmem>>, vector<16xf32>,
        tpu.vector_store %arg7[%swap3A_323, %swap3A_324], %gather3A_317 {strides = array<i32>} : memref<2x4096xf32, #tpu.memory_space<vmem>>, vector<16xf32>,
        %add3A_326 = arith.constant 192 : i32
        %add3A_327 = arith.addi %add3A_172, %add3A_326 : i32
        %get3A_328 = arith.index_cast %add3A_327 : i32 to index
        %get3A_329 = tpu.vector_load %arg6[%get3A_328] {strides = array<i32>} : memref<16384xi32, #tpu.memory_space<vmem>>, vector<16xi32>,
        %gather3A_330 = tpu.vector_load_idx %arg5[%get3A_329] : memref<100000xf32, #tpu.memory_space<vmem>>[vector<16xi32>], vector<16xf32>,
        %mul3A_331 = arith.constant 256 : i32
        %mul3A_332 = arith.muli %scan3A_168, %mul3A_331 : i32
        %add3A_333 = arith.constant 192 : i32
        %add3A_334 = arith.addi %mul3A_332, %add3A_333 : i32
        %swap3A_335 = arith.constant 1 : i32
        %swap3A_336 = arith.index_cast %swap3A_335 : i32 to index
        %swap3A_337 = arith.index_cast %add3A_334 : i32 to index
        %swap3A_338 = tpu.vector_load %arg7[%swap3A_336, %swap3A_337] {strides = array<i32>} : memref<2x4096xf32, #tpu.memory_space<vmem>>, vector<16xf32>,
        tpu.vector_store %arg7[%swap3A_336, %swap3A_337], %gather3A_330 {strides = array<i32>} : memref<2x4096xf32, #tpu.memory_space<vmem>>, vector<16xf32>,
        %add3A_339 = arith.constant 208 : i32
        %add3A_340 = arith.addi %add3A_172, %add3A_339 : i32
        %get3A_341 = arith.index_cast %add3A_340 : i32 to index
        %get3A_342 = tpu.vector_load %arg6[%get3A_341] {strides = array<i32>} : memref<16384xi32, #tpu.memory_space<vmem>>, vector<16xi32>,
        %gather3A_343 = tpu.vector_load_idx %arg5[%get3A_342] : memref<100000xf32, #tpu.memory_space<vmem>>[vector<16xi32>], vector<16xf32>,
        %mul3A_344 = arith.constant 256 : i32
        %mul3A_345 = arith.muli %scan3A_168, %mul3A_344 : i32
        %add3A_346 = arith.constant 208 : i32
        %add3A_347 = arith.addi %mul3A_345, %add3A_346 : i32
        %swap3A_348 = arith.constant 1 : i32
        %swap3A_349 = arith.index_cast %swap3A_348 : i32 to index
        %swap3A_350 = arith.index_cast %add3A_347 : i32 to index
        %swap3A_351 = tpu.vector_load %arg7[%swap3A_349, %swap3A_350] {strides = array<i32>} : memref<2x4096xf32, #tpu.memory_space<vmem>>, vector<16xf32>,
        tpu.vector_store %arg7[%swap3A_349, %swap3A_350], %gather3A_343 {strides = array<i32>} : memref<2x4096xf32, #tpu.memory_space<vmem>>, vector<16xf32>,
        %add3A_352 = arith.constant 224 : i32
        %add3A_353 = arith.addi %add3A_172, %add3A_352 : i32
        %get3A_354 = arith.index_cast %add3A_353 : i32 to index
        %get3A_355 = tpu.vector_load %arg6[%get3A_354] {strides = array<i32>} : memref<16384xi32, #tpu.memory_space<vmem>>, vector<16xi32>,
        %gather3A_356 = tpu.vector_load_idx %arg5[%get3A_355] : memref<100000xf32, #tpu.memory_space<vmem>>[vector<16xi32>], vector<16xf32>,
        %mul3A_357 = arith.constant 256 : i32
        %mul3A_358 = arith.muli %scan3A_168, %mul3A_357 : i32
        %add3A_359 = arith.constant 224 : i32
        %add3A_360 = arith.addi %mul3A_358, %add3A_359 : i32
        %swap3A_361 = arith.constant 1 : i32
        %swap3A_362 = arith.index_cast %swap3A_361 : i32 to index
        %swap3A_363 = arith.index_cast %add3A_360 : i32 to index
        %swap3A_364 = tpu.vector_load %arg7[%swap3A_362, %swap3A_363] {strides = array<i32>} : memref<2x4096xf32, #tpu.memory_space<vmem>>, vector<16xf32>,
        tpu.vector_store %arg7[%swap3A_362, %swap3A_363], %gather3A_356 {strides = array<i32>} : memref<2x4096xf32, #tpu.memory_space<vmem>>, vector<16xf32>,
        %add3A_365 = arith.constant 240 : i32
        %add3A_366 = arith.addi %add3A_172, %add3A_365 : i32
        %get3A_367 = arith.index_cast %add3A_366 : i32 to index
        %get3A_368 = tpu.vector_load %arg6[%get3A_367] {strides = array<i32>} : memref<16384xi32, #tpu.memory_space<vmem>>, vector<16xi32>,
        %gather3A_369 = tpu.vector_load_idx %arg5[%get3A_368] : memref<100000xf32, #tpu.memory_space<vmem>>[vector<16xi32>], vector<16xf32>,
        %mul3A_370 = arith.constant 256 : i32
        %mul3A_371 = arith.muli %scan3A_168, %mul3A_370 : i32
        %add3A_372 = arith.constant 240 : i32
        %add3A_373 = arith.addi %mul3A_371, %add3A_372 : i32
        %swap3A_374 = arith.constant 1 : i32
        %swap3A_375 = arith.index_cast %swap3A_374 : i32 to index
        %swap3A_376 = arith.index_cast %add3A_373 : i32 to index
        %swap3A_377 = tpu.vector_load %arg7[%swap3A_375, %swap3A_376] {strides = array<i32>} : memref<2x4096xf32, #tpu.memory_space<vmem>>, vector<16xf32>,
        tpu.vector_store %arg7[%swap3A_375, %swap3A_376], %gather3A_369 {strides = array<i32>} : memref<2x4096xf32, #tpu.memory_space<vmem>>, vector<16xf32>,
      }
      %scan3A_67 = arith.constant 16 : i32
      %mul3A_68 = arith.constant 16384 : i32
      %mul3A_69 = arith.muli %add3A_11, %mul3A_68 : i32
      %add3A_70 = arith.constant 4096 : i32
      %add3A_71 = arith.addi %mul3A_69, %add3A_70 : i32
      %dma_start3A_72 = arith.constant 1 : i32
      %dma_start3A_73 = arith.constant 0 : i32
      %dma_start3A_74 = tpu.memref_slice %arg7[%dma_start3A_72, %dma_start3A_73] : memref<2x4096xf32, #tpu.memory_space<vmem>> -> memref<1x4096xf32, #tpu.memory_space<vmem>>
      %dma_start3A_75 = tpu.memref_squeeze %dma_start3A_74 : memref<1x4096xf32, #tpu.memory_space<vmem>> -> memref<4096xf32, #tpu.memory_space<vmem>>
      %dma_start3A_76 = tpu.memref_slice %arg4[%add3A_71] : memref<13631488xf32, #tpu.memory_space<hbm>> -> memref<4096xf32, #tpu.memory_space<hbm>>
      %dma_start3A_77 = tpu.memref_slice %arg4[%add3A_71] : memref<13631488xf32, #tpu.memory_space<hbm>> -> memref<4096xf32, #tpu.memory_space<hbm>>
      %dma_start3A_78 = arith.constant 0 : i32
      %dma_start3A_79 = tpu.memref_slice %arg7[%dma_start3A_72, %dma_start3A_78] : memref<2x4096xf32, #tpu.memory_space<vmem>> -> memref<1x4096xf32, #tpu.memory_space<vmem>>
      %dma_start3A_80 = tpu.memref_squeeze %dma_start3A_79 : memref<1x4096xf32, #tpu.memory_space<vmem>> -> memref<4096xf32, #tpu.memory_space<vmem>>
      tpu.enqueue_dma source(%dma_start3A_80 : memref<4096xf32, #tpu.memory_space<vmem>>) target(%dma_start3A_77 : memref<4096xf32, #tpu.memory_space<hbm>>) target_semaphore(%arg8 : memref<!tpu.dma_semaphore, #tpu.memory_space<semaphore_mem>>)
      %scan3A_81 = arith.constant 0 : i32
      %scan3A_82 = arith.constant 16 : i32
      %scan3A_83 = arith.addi %scan3A_81, %scan3A_82 : i32
      %scan3A_84 = arith.constant 1 : i32
      scf.for %scan3A_168 = %scan3A_81 to %scan3A_83 step %scan3A_84  : i32 {
        %mul3A_169 = arith.constant 256 : i32
        %mul3A_170 = arith.muli %scan3A_168, %mul3A_169 : i32
        %add3A_171 = arith.constant 8192 : i32
        %add3A_172 = arith.addi %add3A_171, %mul3A_170 : i32
        %add3A_173 = arith.constant 0 : i32
        %add3A_174 = arith.addi %add3A_172, %add3A_173 : i32
        %get3A = arith.index_cast %add3A_174 : i32 to index
        %get3A_175 = tpu.vector_load %arg6[%get3A] {strides = array<i32>} : memref<16384xi32, #tpu.memory_space<vmem>>, vector<16xi32>,
        %gather3A = tpu.vector_load_idx %arg5[%get3A_175] : memref<100000xf32, #tpu.memory_space<vmem>>[vector<16xi32>], vector<16xf32>,
        %mul3A_176 = arith.constant 256 : i32
        %mul3A_177 = arith.muli %scan3A_168, %mul3A_176 : i32
        %add3A_178 = arith.constant 0 : i32
        %add3A_179 = arith.addi %mul3A_177, %add3A_178 : i32
        %swap3A = arith.constant 0 : i32
        %swap3A_180 = arith.index_cast %swap3A : i32 to index
        %swap3A_181 = arith.index_cast %add3A_179 : i32 to index
        %swap3A_182 = tpu.vector_load %arg7[%swap3A_180, %swap3A_181] {strides = array<i32>} : memref<2x4096xf32, #tpu.memory_space<vmem>>, vector<16xf32>,
        tpu.vector_store %arg7[%swap3A_180, %swap3A_181], %gather3A {strides = array<i32>} : memref<2x4096xf32, #tpu.memory_space<vmem>>, vector<16xf32>,
        %add3A_183 = arith.constant 16 : i32
        %add3A_184 = arith.addi %add3A_172, %add3A_183 : i32
        %get3A_185 = arith.index_cast %add3A_184 : i32 to index
        %get3A_186 = tpu.vector_load %arg6[%get3A_185] {strides = array<i32>} : memref<16384xi32, #tpu.memory_space<vmem>>, vector<16xi32>,
        %gather3A_187 = tpu.vector_load_idx %arg5[%get3A_186] : memref<100000xf32, #tpu.memory_space<vmem>>[vector<16xi32>], vector<16xf32>,
        %mul3A_188 = arith.constant 256 : i32
        %mul3A_189 = arith.muli %scan3A_168, %mul3A_188 : i32
        %add3A_190 = arith.constant 16 : i32
        %add3A_191 = arith.addi %mul3A_189, %add3A_190 : i32
        %swap3A_192 = arith.constant 0 : i32
        %swap3A_193 = arith.index_cast %swap3A_192 : i32 to index
        %swap3A_194 = arith.index_cast %add3A_191 : i32 to index
        %swap3A_195 = tpu.vector_load %arg7[%swap3A_193, %swap3A_194] {strides = array<i32>} : memref<2x4096xf32, #tpu.memory_space<vmem>>, vector<16xf32>,
        tpu.vector_store %arg7[%swap3A_193, %swap3A_194], %gather3A_187 {strides = array<i32>} : memref<2x4096xf32, #tpu.memory_space<vmem>>, vector<16xf32>,
        %add3A_196 = arith.constant 32 : i32
        %add3A_197 = arith.addi %add3A_172, %add3A_196 : i32
        %get3A_198 = arith.index_cast %add3A_197 : i32 to index
        %get3A_199 = tpu.vector_load %arg6[%get3A_198] {strides = array<i32>} : memref<16384xi32, #tpu.memory_space<vmem>>, vector<16xi32>,
        %gather3A_200 = tpu.vector_load_idx %arg5[%get3A_199] : memref<100000xf32, #tpu.memory_space<vmem>>[vector<16xi32>], vector<16xf32>,
        %mul3A_201 = arith.constant 256 : i32
        %mul3A_202 = arith.muli %scan3A_168, %mul3A_201 : i32
        %add3A_203 = arith.constant 32 : i32
        %add3A_204 = arith.addi %mul3A_202, %add3A_203 : i32
        %swap3A_205 = arith.constant 0 : i32
        %swap3A_206 = arith.index_cast %swap3A_205 : i32 to index
        %swap3A_207 = arith.index_cast %add3A_204 : i32 to index
        %swap3A_208 = tpu.vector_load %arg7[%swap3A_206, %swap3A_207] {strides = array<i32>} : memref<2x4096xf32, #tpu.memory_space<vmem>>, vector<16xf32>,
        tpu.vector_store %arg7[%swap3A_206, %swap3A_207], %gather3A_200 {strides = array<i32>} : memref<2x4096xf32, #tpu.memory_space<vmem>>, vector<16xf32>,
        %add3A_209 = arith.constant 48 : i32
        %add3A_210 = arith.addi %add3A_172, %add3A_209 : i32
        %get3A_211 = arith.index_cast %add3A_210 : i32 to index
        %get3A_212 = tpu.vector_load %arg6[%get3A_211] {strides = array<i32>} : memref<16384xi32, #tpu.memory_space<vmem>>, vector<16xi32>,
        %gather3A_213 = tpu.vector_load_idx %arg5[%get3A_212] : memref<100000xf32, #tpu.memory_space<vmem>>[vector<16xi32>], vector<16xf32>,
        %mul3A_214 = arith.constant 256 : i32
        %mul3A_215 = arith.muli %scan3A_168, %mul3A_214 : i32
        %add3A_216 = arith.constant 48 : i32
        %add3A_217 = arith.addi %mul3A_215, %add3A_216 : i32
        %swap3A_218 = arith.constant 0 : i32
        %swap3A_219 = arith.index_cast %swap3A_218 : i32 to index
        %swap3A_220 = arith.index_cast %add3A_217 : i32 to index
        %swap3A_221 = tpu.vector_load %arg7[%swap3A_219, %swap3A_220] {strides = array<i32>} : memref<2x4096xf32, #tpu.memory_space<vmem>>, vector<16xf32>,
        tpu.vector_store %arg7[%swap3A_219, %swap3A_220], %gather3A_213 {strides = array<i32>} : memref<2x4096xf32, #tpu.memory_space<vmem>>, vector<16xf32>,
        %add3A_222 = arith.constant 64 : i32
        %add3A_223 = arith.addi %add3A_172, %add3A_222 : i32
        %get3A_224 = arith.index_cast %add3A_223 : i32 to index
        %get3A_225 = tpu.vector_load %arg6[%get3A_224] {strides = array<i32>} : memref<16384xi32, #tpu.memory_space<vmem>>, vector<16xi32>,
        %gather3A_226 = tpu.vector_load_idx %arg5[%get3A_225] : memref<100000xf32, #tpu.memory_space<vmem>>[vector<16xi32>], vector<16xf32>,
        %mul3A_227 = arith.constant 256 : i32
        %mul3A_228 = arith.muli %scan3A_168, %mul3A_227 : i32
        %add3A_229 = arith.constant 64 : i32
        %add3A_230 = arith.addi %mul3A_228, %add3A_229 : i32
        %swap3A_231 = arith.constant 0 : i32
        %swap3A_232 = arith.index_cast %swap3A_231 : i32 to index
        %swap3A_233 = arith.index_cast %add3A_230 : i32 to index
        %swap3A_234 = tpu.vector_load %arg7[%swap3A_232, %swap3A_233] {strides = array<i32>} : memref<2x4096xf32, #tpu.memory_space<vmem>>, vector<16xf32>,
        tpu.vector_store %arg7[%swap3A_232, %swap3A_233], %gather3A_226 {strides = array<i32>} : memref<2x4096xf32, #tpu.memory_space<vmem>>, vector<16xf32>,
        %add3A_235 = arith.constant 80 : i32
        %add3A_236 = arith.addi %add3A_172, %add3A_235 : i32
        %get3A_237 = arith.index_cast %add3A_236 : i32 to index
        %get3A_238 = tpu.vector_load %arg6[%get3A_237] {strides = array<i32>} : memref<16384xi32, #tpu.memory_space<vmem>>, vector<16xi32>,
        %gather3A_239 = tpu.vector_load_idx %arg5[%get3A_238] : memref<100000xf32, #tpu.memory_space<vmem>>[vector<16xi32>], vector<16xf32>,
        %mul3A_240 = arith.constant 256 : i32
        %mul3A_241 = arith.muli %scan3A_168, %mul3A_240 : i32
        %add3A_242 = arith.constant 80 : i32
        %add3A_243 = arith.addi %mul3A_241, %add3A_242 : i32
        %swap3A_244 = arith.constant 0 : i32
        %swap3A_245 = arith.index_cast %swap3A_244 : i32 to index
        %swap3A_246 = arith.index_cast %add3A_243 : i32 to index
        %swap3A_247 = tpu.vector_load %arg7[%swap3A_245, %swap3A_246] {strides = array<i32>} : memref<2x4096xf32, #tpu.memory_space<vmem>>, vector<16xf32>,
        tpu.vector_store %arg7[%swap3A_245, %swap3A_246], %gather3A_239 {strides = array<i32>} : memref<2x4096xf32, #tpu.memory_space<vmem>>, vector<16xf32>,
        %add3A_248 = arith.constant 96 : i32
        %add3A_249 = arith.addi %add3A_172, %add3A_248 : i32
        %get3A_250 = arith.index_cast %add3A_249 : i32 to index
        %get3A_251 = tpu.vector_load %arg6[%get3A_250] {strides = array<i32>} : memref<16384xi32, #tpu.memory_space<vmem>>, vector<16xi32>,
        %gather3A_252 = tpu.vector_load_idx %arg5[%get3A_251] : memref<100000xf32, #tpu.memory_space<vmem>>[vector<16xi32>], vector<16xf32>,
        %mul3A_253 = arith.constant 256 : i32
        %mul3A_254 = arith.muli %scan3A_168, %mul3A_253 : i32
        %add3A_255 = arith.constant 96 : i32
        %add3A_256 = arith.addi %mul3A_254, %add3A_255 : i32
        %swap3A_257 = arith.constant 0 : i32
        %swap3A_258 = arith.index_cast %swap3A_257 : i32 to index
        %swap3A_259 = arith.index_cast %add3A_256 : i32 to index
        %swap3A_260 = tpu.vector_load %arg7[%swap3A_258, %swap3A_259] {strides = array<i32>} : memref<2x4096xf32, #tpu.memory_space<vmem>>, vector<16xf32>,
        tpu.vector_store %arg7[%swap3A_258, %swap3A_259], %gather3A_252 {strides = array<i32>} : memref<2x4096xf32, #tpu.memory_space<vmem>>, vector<16xf32>,
        %add3A_261 = arith.constant 112 : i32
        %add3A_262 = arith.addi %add3A_172, %add3A_261 : i32
        %get3A_263 = arith.index_cast %add3A_262 : i32 to index
        %get3A_264 = tpu.vector_load %arg6[%get3A_263] {strides = array<i32>} : memref<16384xi32, #tpu.memory_space<vmem>>, vector<16xi32>,
        %gather3A_265 = tpu.vector_load_idx %arg5[%get3A_264] : memref<100000xf32, #tpu.memory_space<vmem>>[vector<16xi32>], vector<16xf32>,
        %mul3A_266 = arith.constant 256 : i32
        %mul3A_267 = arith.muli %scan3A_168, %mul3A_266 : i32
        %add3A_268 = arith.constant 112 : i32
        %add3A_269 = arith.addi %mul3A_267, %add3A_268 : i32
        %swap3A_270 = arith.constant 0 : i32
        %swap3A_271 = arith.index_cast %swap3A_270 : i32 to index
        %swap3A_272 = arith.index_cast %add3A_269 : i32 to index
        %swap3A_273 = tpu.vector_load %arg7[%swap3A_271, %swap3A_272] {strides = array<i32>} : memref<2x4096xf32, #tpu.memory_space<vmem>>, vector<16xf32>,
        tpu.vector_store %arg7[%swap3A_271, %swap3A_272], %gather3A_265 {strides = array<i32>} : memref<2x4096xf32, #tpu.memory_space<vmem>>, vector<16xf32>,
        %add3A_274 = arith.constant 128 : i32
        %add3A_275 = arith.addi %add3A_172, %add3A_274 : i32
        %get3A_276 = arith.index_cast %add3A_275 : i32 to index
        %get3A_277 = tpu.vector_load %arg6[%get3A_276] {strides = array<i32>} : memref<16384xi32, #tpu.memory_space<vmem>>, vector<16xi32>,
        %gather3A_278 = tpu.vector_load_idx %arg5[%get3A_277] : memref<100000xf32, #tpu.memory_space<vmem>>[vector<16xi32>], vector<16xf32>,
        %mul3A_279 = arith.constant 256 : i32
        %mul3A_280 = arith.muli %scan3A_168, %mul3A_279 : i32
        %add3A_281 = arith.constant 128 : i32
        %add3A_282 = arith.addi %mul3A_280, %add3A_281 : i32
        %swap3A_283 = arith.constant 0 : i32
        %swap3A_284 = arith.index_cast %swap3A_283 : i32 to index
        %swap3A_285 = arith.index_cast %add3A_282 : i32 to index
        %swap3A_286 = tpu.vector_load %arg7[%swap3A_284, %swap3A_285] {strides = array<i32>} : memref<2x4096xf32, #tpu.memory_space<vmem>>, vector<16xf32>,
        tpu.vector_store %arg7[%swap3A_284, %swap3A_285], %gather3A_278 {strides = array<i32>} : memref<2x4096xf32, #tpu.memory_space<vmem>>, vector<16xf32>,
        %add3A_287 = arith.constant 144 : i32
        %add3A_288 = arith.addi %add3A_172, %add3A_287 : i32
        %get3A_289 = arith.index_cast %add3A_288 : i32 to index
        %get3A_290 = tpu.vector_load %arg6[%get3A_289] {strides = array<i32>} : memref<16384xi32, #tpu.memory_space<vmem>>, vector<16xi32>,
        %gather3A_291 = tpu.vector_load_idx %arg5[%get3A_290] : memref<100000xf32, #tpu.memory_space<vmem>>[vector<16xi32>], vector<16xf32>,
        %mul3A_292 = arith.constant 256 : i32
        %mul3A_293 = arith.muli %scan3A_168, %mul3A_292 : i32
        %add3A_294 = arith.constant 144 : i32
        %add3A_295 = arith.addi %mul3A_293, %add3A_294 : i32
        %swap3A_296 = arith.constant 0 : i32
        %swap3A_297 = arith.index_cast %swap3A_296 : i32 to index
        %swap3A_298 = arith.index_cast %add3A_295 : i32 to index
        %swap3A_299 = tpu.vector_load %arg7[%swap3A_297, %swap3A_298] {strides = array<i32>} : memref<2x4096xf32, #tpu.memory_space<vmem>>, vector<16xf32>,
        tpu.vector_store %arg7[%swap3A_297, %swap3A_298], %gather3A_291 {strides = array<i32>} : memref<2x4096xf32, #tpu.memory_space<vmem>>, vector<16xf32>,
        %add3A_300 = arith.constant 160 : i32
        %add3A_301 = arith.addi %add3A_172, %add3A_300 : i32
        %get3A_302 = arith.index_cast %add3A_301 : i32 to index
        %get3A_303 = tpu.vector_load %arg6[%get3A_302] {strides = array<i32>} : memref<16384xi32, #tpu.memory_space<vmem>>, vector<16xi32>,
        %gather3A_304 = tpu.vector_load_idx %arg5[%get3A_303] : memref<100000xf32, #tpu.memory_space<vmem>>[vector<16xi32>], vector<16xf32>,
        %mul3A_305 = arith.constant 256 : i32
        %mul3A_306 = arith.muli %scan3A_168, %mul3A_305 : i32
        %add3A_307 = arith.constant 160 : i32
        %add3A_308 = arith.addi %mul3A_306, %add3A_307 : i32
        %swap3A_309 = arith.constant 0 : i32
        %swap3A_310 = arith.index_cast %swap3A_309 : i32 to index
        %swap3A_311 = arith.index_cast %add3A_308 : i32 to index
        %swap3A_312 = tpu.vector_load %arg7[%swap3A_310, %swap3A_311] {strides = array<i32>} : memref<2x4096xf32, #tpu.memory_space<vmem>>, vector<16xf32>,
        tpu.vector_store %arg7[%swap3A_310, %swap3A_311], %gather3A_304 {strides = array<i32>} : memref<2x4096xf32, #tpu.memory_space<vmem>>, vector<16xf32>,
        %add3A_313 = arith.constant 176 : i32
        %add3A_314 = arith.addi %add3A_172, %add3A_313 : i32
        %get3A_315 = arith.index_cast %add3A_314 : i32 to index
        %get3A_316 = tpu.vector_load %arg6[%get3A_315] {strides = array<i32>} : memref<16384xi32, #tpu.memory_space<vmem>>, vector<16xi32>,
        %gather3A_317 = tpu.vector_load_idx %arg5[%get3A_316] : memref<100000xf32, #tpu.memory_space<vmem>>[vector<16xi32>], vector<16xf32>,
        %mul3A_318 = arith.constant 256 : i32
        %mul3A_319 = arith.muli %scan3A_168, %mul3A_318 : i32
        %add3A_320 = arith.constant 176 : i32
        %add3A_321 = arith.addi %mul3A_319, %add3A_320 : i32
        %swap3A_322 = arith.constant 0 : i32
        %swap3A_323 = arith.index_cast %swap3A_322 : i32 to index
        %swap3A_324 = arith.index_cast %add3A_321 : i32 to index
        %swap3A_325 = tpu.vector_load %arg7[%swap3A_323, %swap3A_324] {strides = array<i32>} : memref<2x4096xf32, #tpu.memory_space<vmem>>, vector<16xf32>,
        tpu.vector_store %arg7[%swap3A_323, %swap3A_324], %gather3A_317 {strides = array<i32>} : memref<2x4096xf32, #tpu.memory_space<vmem>>, vector<16xf32>,
        %add3A_326 = arith.constant 192 : i32
        %add3A_327 = arith.addi %add3A_172, %add3A_326 : i32
        %get3A_328 = arith.index_cast %add3A_327 : i32 to index
        %get3A_329 = tpu.vector_load %arg6[%get3A_328] {strides = array<i32>} : memref<16384xi32, #tpu.memory_space<vmem>>, vector<16xi32>,
        %gather3A_330 = tpu.vector_load_idx %arg5[%get3A_329] : memref<100000xf32, #tpu.memory_space<vmem>>[vector<16xi32>], vector<16xf32>,
        %mul3A_331 = arith.constant 256 : i32
        %mul3A_332 = arith.muli %scan3A_168, %mul3A_331 : i32
        %add3A_333 = arith.constant 192 : i32
        %add3A_334 = arith.addi %mul3A_332, %add3A_333 : i32
        %swap3A_335 = arith.constant 0 : i32
        %swap3A_336 = arith.index_cast %swap3A_335 : i32 to index
        %swap3A_337 = arith.index_cast %add3A_334 : i32 to index
        %swap3A_338 = tpu.vector_load %arg7[%swap3A_336, %swap3A_337] {strides = array<i32>} : memref<2x4096xf32, #tpu.memory_space<vmem>>, vector<16xf32>,
        tpu.vector_store %arg7[%swap3A_336, %swap3A_337], %gather3A_330 {strides = array<i32>} : memref<2x4096xf32, #tpu.memory_space<vmem>>, vector<16xf32>,
        %add3A_339 = arith.constant 208 : i32
        %add3A_340 = arith.addi %add3A_172, %add3A_339 : i32
        %get3A_341 = arith.index_cast %add3A_340 : i32 to index
        %get3A_342 = tpu.vector_load %arg6[%get3A_341] {strides = array<i32>} : memref<16384xi32, #tpu.memory_space<vmem>>, vector<16xi32>,
        %gather3A_343 = tpu.vector_load_idx %arg5[%get3A_342] : memref<100000xf32, #tpu.memory_space<vmem>>[vector<16xi32>], vector<16xf32>,
        %mul3A_344 = arith.constant 256 : i32
        %mul3A_345 = arith.muli %scan3A_168, %mul3A_344 : i32
        %add3A_346 = arith.constant 208 : i32
        %add3A_347 = arith.addi %mul3A_345, %add3A_346 : i32
        %swap3A_348 = arith.constant 0 : i32
        %swap3A_349 = arith.index_cast %swap3A_348 : i32 to index
        %swap3A_350 = arith.index_cast %add3A_347 : i32 to index
        %swap3A_351 = tpu.vector_load %arg7[%swap3A_349, %swap3A_350] {strides = array<i32>} : memref<2x4096xf32, #tpu.memory_space<vmem>>, vector<16xf32>,
        tpu.vector_store %arg7[%swap3A_349, %swap3A_350], %gather3A_343 {strides = array<i32>} : memref<2x4096xf32, #tpu.memory_space<vmem>>, vector<16xf32>,
        %add3A_352 = arith.constant 224 : i32
        %add3A_353 = arith.addi %add3A_172, %add3A_352 : i32
        %get3A_354 = arith.index_cast %add3A_353 : i32 to index
        %get3A_355 = tpu.vector_load %arg6[%get3A_354] {strides = array<i32>} : memref<16384xi32, #tpu.memory_space<vmem>>, vector<16xi32>,
        %gather3A_356 = tpu.vector_load_idx %arg5[%get3A_355] : memref<100000xf32, #tpu.memory_space<vmem>>[vector<16xi32>], vector<16xf32>,
        %mul3A_357 = arith.constant 256 : i32
        %mul3A_358 = arith.muli %scan3A_168, %mul3A_357 : i32
        %add3A_359 = arith.constant 224 : i32
        %add3A_360 = arith.addi %mul3A_358, %add3A_359 : i32
        %swap3A_361 = arith.constant 0 : i32
        %swap3A_362 = arith.index_cast %swap3A_361 : i32 to index
        %swap3A_363 = arith.index_cast %add3A_360 : i32 to index
        %swap3A_364 = tpu.vector_load %arg7[%swap3A_362, %swap3A_363] {strides = array<i32>} : memref<2x4096xf32, #tpu.memory_space<vmem>>, vector<16xf32>,
        tpu.vector_store %arg7[%swap3A_362, %swap3A_363], %gather3A_356 {strides = array<i32>} : memref<2x4096xf32, #tpu.memory_space<vmem>>, vector<16xf32>,
        %add3A_365 = arith.constant 240 : i32
        %add3A_366 = arith.addi %add3A_172, %add3A_365 : i32
        %get3A_367 = arith.index_cast %add3A_366 : i32 to index
        %get3A_368 = tpu.vector_load %arg6[%get3A_367] {strides = array<i32>} : memref<16384xi32, #tpu.memory_space<vmem>>, vector<16xi32>,
        %gather3A_369 = tpu.vector_load_idx %arg5[%get3A_368] : memref<100000xf32, #tpu.memory_space<vmem>>[vector<16xi32>], vector<16xf32>,
        %mul3A_370 = arith.constant 256 : i32
        %mul3A_371 = arith.muli %scan3A_168, %mul3A_370 : i32
        %add3A_372 = arith.constant 240 : i32
        %add3A_373 = arith.addi %mul3A_371, %add3A_372 : i32
        %swap3A_374 = arith.constant 0 : i32
        %swap3A_375 = arith.index_cast %swap3A_374 : i32 to index
        %swap3A_376 = arith.index_cast %add3A_373 : i32 to index
        %swap3A_377 = tpu.vector_load %arg7[%swap3A_375, %swap3A_376] {strides = array<i32>} : memref<2x4096xf32, #tpu.memory_space<vmem>>, vector<16xf32>,
        tpu.vector_store %arg7[%swap3A_375, %swap3A_376], %gather3A_369 {strides = array<i32>} : memref<2x4096xf32, #tpu.memory_space<vmem>>, vector<16xf32>,
      }
      %scan3A_85 = arith.constant 16 : i32
      %mul3A_86 = arith.constant 16384 : i32
      %mul3A_87 = arith.muli %add3A_11, %mul3A_86 : i32
      %add3A_88 = arith.constant 0 : i32
      %add3A_89 = arith.addi %mul3A_87, %add3A_88 : i32
      %dma_wait3A = arith.constant 0 : i32
      %dma_wait3A_90 = arith.constant 0 : i32
      %dma_wait3A_91 = tpu.memref_slice %arg7[%dma_wait3A, %dma_wait3A_90] : memref<2x4096xf32, #tpu.memory_space<vmem>> -> memref<1x4096xf32, #tpu.memory_space<vmem>>
      %dma_wait3A_92 = tpu.memref_squeeze %dma_wait3A_91 : memref<1x4096xf32, #tpu.memory_space<vmem>> -> memref<4096xf32, #tpu.memory_space<vmem>>
      %dma_wait3A_93 = tpu.memref_slice %arg4[%add3A_89] : memref<13631488xf32, #tpu.memory_space<hbm>> -> memref<4096xf32, #tpu.memory_space<hbm>>
      %dma_wait3A_94 = tpu.memref_slice %arg4[%add3A_89] : memref<13631488xf32, #tpu.memory_space<hbm>> -> memref<4096xf32, #tpu.memory_space<hbm>>
      %dma_wait3A_95 = arith.constant 0 : i32
      %dma_wait3A_96 = tpu.memref_slice %arg7[%dma_wait3A, %dma_wait3A_95] : memref<2x4096xf32, #tpu.memory_space<vmem>> -> memref<1x4096xf32, #tpu.memory_space<vmem>>
      %dma_wait3A_97 = tpu.memref_squeeze %dma_wait3A_96 : memref<1x4096xf32, #tpu.memory_space<vmem>> -> memref<4096xf32, #tpu.memory_space<vmem>>
      tpu.wait_dma2 semaphore(%arg8 : memref<!tpu.dma_semaphore, #tpu.memory_space<semaphore_mem>>) src(%dma_wait3A_97 : memref<4096xf32, #tpu.memory_space<vmem>>) dst(%dma_wait3A_94 : memref<4096xf32, #tpu.memory_space<hbm>>)
      %mul3A_98 = arith.constant 16384 : i32
      %mul3A_99 = arith.muli %add3A_11, %mul3A_98 : i32
      %add3A_100 = arith.constant 8192 : i32
      %add3A_101 = arith.addi %mul3A_99, %add3A_100 : i32
      %dma_start3A_102 = arith.constant 0 : i32
      %dma_start3A_103 = arith.constant 0 : i32
      %dma_start3A_104 = tpu.memref_slice %arg7[%dma_start3A_102, %dma_start3A_103] : memref<2x4096xf32, #tpu.memory_space<vmem>> -> memref<1x4096xf32, #tpu.memory_space<vmem>>
      %dma_start3A_105 = tpu.memref_squeeze %dma_start3A_104 : memref<1x4096xf32, #tpu.memory_space<vmem>> -> memref<4096xf32, #tpu.memory_space<vmem>>
      %dma_start3A_106 = tpu.memref_slice %arg4[%add3A_101] : memref<13631488xf32, #tpu.memory_space<hbm>> -> memref<4096xf32, #tpu.memory_space<hbm>>
      %dma_start3A_107 = tpu.memref_slice %arg4[%add3A_101] : memref<13631488xf32, #tpu.memory_space<hbm>> -> memref<4096xf32, #tpu.memory_space<hbm>>
      %dma_start3A_108 = arith.constant 0 : i32
      %dma_start3A_109 = tpu.memref_slice %arg7[%dma_start3A_102, %dma_start3A_108] : memref<2x4096xf32, #tpu.memory_space<vmem>> -> memref<1x4096xf32, #tpu.memory_space<vmem>>
      %dma_start3A_110 = tpu.memref_squeeze %dma_start3A_109 : memref<1x4096xf32, #tpu.memory_space<vmem>> -> memref<4096xf32, #tpu.memory_space<vmem>>
      tpu.enqueue_dma source(%dma_start3A_110 : memref<4096xf32, #tpu.memory_space<vmem>>) target(%dma_start3A_107 : memref<4096xf32, #tpu.memory_space<hbm>>) target_semaphore(%arg8 : memref<!tpu.dma_semaphore, #tpu.memory_space<semaphore_mem>>)
      %scan3A_111 = arith.constant 0 : i32
      %scan3A_112 = arith.constant 16 : i32
      %scan3A_113 = arith.addi %scan3A_111, %scan3A_112 : i32
      %scan3A_114 = arith.constant 1 : i32
      scf.for %scan3A_168 = %scan3A_111 to %scan3A_113 step %scan3A_114  : i32 {
        %mul3A_169 = arith.constant 256 : i32
        %mul3A_170 = arith.muli %scan3A_168, %mul3A_169 : i32
        %add3A_171 = arith.constant 12288 : i32
        %add3A_172 = arith.addi %add3A_171, %mul3A_170 : i32
        %add3A_173 = arith.constant 0 : i32
        %add3A_174 = arith.addi %add3A_172, %add3A_173 : i32
        %get3A = arith.index_cast %add3A_174 : i32 to index
        %get3A_175 = tpu.vector_load %arg6[%get3A] {strides = array<i32>} : memref<16384xi32, #tpu.memory_space<vmem>>, vector<16xi32>,
        %gather3A = tpu.vector_load_idx %arg5[%get3A_175] : memref<100000xf32, #tpu.memory_space<vmem>>[vector<16xi32>], vector<16xf32>,
        %mul3A_176 = arith.constant 256 : i32
        %mul3A_177 = arith.muli %scan3A_168, %mul3A_176 : i32
        %add3A_178 = arith.constant 0 : i32
        %add3A_179 = arith.addi %mul3A_177, %add3A_178 : i32
        %swap3A = arith.constant 1 : i32
        %swap3A_180 = arith.index_cast %swap3A : i32 to index
        %swap3A_181 = arith.index_cast %add3A_179 : i32 to index
        %swap3A_182 = tpu.vector_load %arg7[%swap3A_180, %swap3A_181] {strides = array<i32>} : memref<2x4096xf32, #tpu.memory_space<vmem>>, vector<16xf32>,
        tpu.vector_store %arg7[%swap3A_180, %swap3A_181], %gather3A {strides = array<i32>} : memref<2x4096xf32, #tpu.memory_space<vmem>>, vector<16xf32>,
        %add3A_183 = arith.constant 16 : i32
        %add3A_184 = arith.addi %add3A_172, %add3A_183 : i32
        %get3A_185 = arith.index_cast %add3A_184 : i32 to index
        %get3A_186 = tpu.vector_load %arg6[%get3A_185] {strides = array<i32>} : memref<16384xi32, #tpu.memory_space<vmem>>, vector<16xi32>,
        %gather3A_187 = tpu.vector_load_idx %arg5[%get3A_186] : memref<100000xf32, #tpu.memory_space<vmem>>[vector<16xi32>], vector<16xf32>,
        %mul3A_188 = arith.constant 256 : i32
        %mul3A_189 = arith.muli %scan3A_168, %mul3A_188 : i32
        %add3A_190 = arith.constant 16 : i32
        %add3A_191 = arith.addi %mul3A_189, %add3A_190 : i32
        %swap3A_192 = arith.constant 1 : i32
        %swap3A_193 = arith.index_cast %swap3A_192 : i32 to index
        %swap3A_194 = arith.index_cast %add3A_191 : i32 to index
        %swap3A_195 = tpu.vector_load %arg7[%swap3A_193, %swap3A_194] {strides = array<i32>} : memref<2x4096xf32, #tpu.memory_space<vmem>>, vector<16xf32>,
        tpu.vector_store %arg7[%swap3A_193, %swap3A_194], %gather3A_187 {strides = array<i32>} : memref<2x4096xf32, #tpu.memory_space<vmem>>, vector<16xf32>,
        %add3A_196 = arith.constant 32 : i32
        %add3A_197 = arith.addi %add3A_172, %add3A_196 : i32
        %get3A_198 = arith.index_cast %add3A_197 : i32 to index
        %get3A_199 = tpu.vector_load %arg6[%get3A_198] {strides = array<i32>} : memref<16384xi32, #tpu.memory_space<vmem>>, vector<16xi32>,
        %gather3A_200 = tpu.vector_load_idx %arg5[%get3A_199] : memref<100000xf32, #tpu.memory_space<vmem>>[vector<16xi32>], vector<16xf32>,
        %mul3A_201 = arith.constant 256 : i32
        %mul3A_202 = arith.muli %scan3A_168, %mul3A_201 : i32
        %add3A_203 = arith.constant 32 : i32
        %add3A_204 = arith.addi %mul3A_202, %add3A_203 : i32
        %swap3A_205 = arith.constant 1 : i32
        %swap3A_206 = arith.index_cast %swap3A_205 : i32 to index
        %swap3A_207 = arith.index_cast %add3A_204 : i32 to index
        %swap3A_208 = tpu.vector_load %arg7[%swap3A_206, %swap3A_207] {strides = array<i32>} : memref<2x4096xf32, #tpu.memory_space<vmem>>, vector<16xf32>,
        tpu.vector_store %arg7[%swap3A_206, %swap3A_207], %gather3A_200 {strides = array<i32>} : memref<2x4096xf32, #tpu.memory_space<vmem>>, vector<16xf32>,
        %add3A_209 = arith.constant 48 : i32
        %add3A_210 = arith.addi %add3A_172, %add3A_209 : i32
        %get3A_211 = arith.index_cast %add3A_210 : i32 to index
        %get3A_212 = tpu.vector_load %arg6[%get3A_211] {strides = array<i32>} : memref<16384xi32, #tpu.memory_space<vmem>>, vector<16xi32>,
        %gather3A_213 = tpu.vector_load_idx %arg5[%get3A_212] : memref<100000xf32, #tpu.memory_space<vmem>>[vector<16xi32>], vector<16xf32>,
        %mul3A_214 = arith.constant 256 : i32
        %mul3A_215 = arith.muli %scan3A_168, %mul3A_214 : i32
        %add3A_216 = arith.constant 48 : i32
        %add3A_217 = arith.addi %mul3A_215, %add3A_216 : i32
        %swap3A_218 = arith.constant 1 : i32
        %swap3A_219 = arith.index_cast %swap3A_218 : i32 to index
        %swap3A_220 = arith.index_cast %add3A_217 : i32 to index
        %swap3A_221 = tpu.vector_load %arg7[%swap3A_219, %swap3A_220] {strides = array<i32>} : memref<2x4096xf32, #tpu.memory_space<vmem>>, vector<16xf32>,
        tpu.vector_store %arg7[%swap3A_219, %swap3A_220], %gather3A_213 {strides = array<i32>} : memref<2x4096xf32, #tpu.memory_space<vmem>>, vector<16xf32>,
        %add3A_222 = arith.constant 64 : i32
        %add3A_223 = arith.addi %add3A_172, %add3A_222 : i32
        %get3A_224 = arith.index_cast %add3A_223 : i32 to index
        %get3A_225 = tpu.vector_load %arg6[%get3A_224] {strides = array<i32>} : memref<16384xi32, #tpu.memory_space<vmem>>, vector<16xi32>,
        %gather3A_226 = tpu.vector_load_idx %arg5[%get3A_225] : memref<100000xf32, #tpu.memory_space<vmem>>[vector<16xi32>], vector<16xf32>,
        %mul3A_227 = arith.constant 256 : i32
        %mul3A_228 = arith.muli %scan3A_168, %mul3A_227 : i32
        %add3A_229 = arith.constant 64 : i32
        %add3A_230 = arith.addi %mul3A_228, %add3A_229 : i32
        %swap3A_231 = arith.constant 1 : i32
        %swap3A_232 = arith.index_cast %swap3A_231 : i32 to index
        %swap3A_233 = arith.index_cast %add3A_230 : i32 to index
        %swap3A_234 = tpu.vector_load %arg7[%swap3A_232, %swap3A_233] {strides = array<i32>} : memref<2x4096xf32, #tpu.memory_space<vmem>>, vector<16xf32>,
        tpu.vector_store %arg7[%swap3A_232, %swap3A_233], %gather3A_226 {strides = array<i32>} : memref<2x4096xf32, #tpu.memory_space<vmem>>, vector<16xf32>,
        %add3A_235 = arith.constant 80 : i32
        %add3A_236 = arith.addi %add3A_172, %add3A_235 : i32
        %get3A_237 = arith.index_cast %add3A_236 : i32 to index
        %get3A_238 = tpu.vector_load %arg6[%get3A_237] {strides = array<i32>} : memref<16384xi32, #tpu.memory_space<vmem>>, vector<16xi32>,
        %gather3A_239 = tpu.vector_load_idx %arg5[%get3A_238] : memref<100000xf32, #tpu.memory_space<vmem>>[vector<16xi32>], vector<16xf32>,
        %mul3A_240 = arith.constant 256 : i32
        %mul3A_241 = arith.muli %scan3A_168, %mul3A_240 : i32
        %add3A_242 = arith.constant 80 : i32
        %add3A_243 = arith.addi %mul3A_241, %add3A_242 : i32
        %swap3A_244 = arith.constant 1 : i32
        %swap3A_245 = arith.index_cast %swap3A_244 : i32 to index
        %swap3A_246 = arith.index_cast %add3A_243 : i32 to index
        %swap3A_247 = tpu.vector_load %arg7[%swap3A_245, %swap3A_246] {strides = array<i32>} : memref<2x4096xf32, #tpu.memory_space<vmem>>, vector<16xf32>,
        tpu.vector_store %arg7[%swap3A_245, %swap3A_246], %gather3A_239 {strides = array<i32>} : memref<2x4096xf32, #tpu.memory_space<vmem>>, vector<16xf32>,
        %add3A_248 = arith.constant 96 : i32
        %add3A_249 = arith.addi %add3A_172, %add3A_248 : i32
        %get3A_250 = arith.index_cast %add3A_249 : i32 to index
        %get3A_251 = tpu.vector_load %arg6[%get3A_250] {strides = array<i32>} : memref<16384xi32, #tpu.memory_space<vmem>>, vector<16xi32>,
        %gather3A_252 = tpu.vector_load_idx %arg5[%get3A_251] : memref<100000xf32, #tpu.memory_space<vmem>>[vector<16xi32>], vector<16xf32>,
        %mul3A_253 = arith.constant 256 : i32
        %mul3A_254 = arith.muli %scan3A_168, %mul3A_253 : i32
        %add3A_255 = arith.constant 96 : i32
        %add3A_256 = arith.addi %mul3A_254, %add3A_255 : i32
        %swap3A_257 = arith.constant 1 : i32
        %swap3A_258 = arith.index_cast %swap3A_257 : i32 to index
        %swap3A_259 = arith.index_cast %add3A_256 : i32 to index
        %swap3A_260 = tpu.vector_load %arg7[%swap3A_258, %swap3A_259] {strides = array<i32>} : memref<2x4096xf32, #tpu.memory_space<vmem>>, vector<16xf32>,
        tpu.vector_store %arg7[%swap3A_258, %swap3A_259], %gather3A_252 {strides = array<i32>} : memref<2x4096xf32, #tpu.memory_space<vmem>>, vector<16xf32>,
        %add3A_261 = arith.constant 112 : i32
        %add3A_262 = arith.addi %add3A_172, %add3A_261 : i32
        %get3A_263 = arith.index_cast %add3A_262 : i32 to index
        %get3A_264 = tpu.vector_load %arg6[%get3A_263] {strides = array<i32>} : memref<16384xi32, #tpu.memory_space<vmem>>, vector<16xi32>,
        %gather3A_265 = tpu.vector_load_idx %arg5[%get3A_264] : memref<100000xf32, #tpu.memory_space<vmem>>[vector<16xi32>], vector<16xf32>,
        %mul3A_266 = arith.constant 256 : i32
        %mul3A_267 = arith.muli %scan3A_168, %mul3A_266 : i32
        %add3A_268 = arith.constant 112 : i32
        %add3A_269 = arith.addi %mul3A_267, %add3A_268 : i32
        %swap3A_270 = arith.constant 1 : i32
        %swap3A_271 = arith.index_cast %swap3A_270 : i32 to index
        %swap3A_272 = arith.index_cast %add3A_269 : i32 to index
        %swap3A_273 = tpu.vector_load %arg7[%swap3A_271, %swap3A_272] {strides = array<i32>} : memref<2x4096xf32, #tpu.memory_space<vmem>>, vector<16xf32>,
        tpu.vector_store %arg7[%swap3A_271, %swap3A_272], %gather3A_265 {strides = array<i32>} : memref<2x4096xf32, #tpu.memory_space<vmem>>, vector<16xf32>,
        %add3A_274 = arith.constant 128 : i32
        %add3A_275 = arith.addi %add3A_172, %add3A_274 : i32
        %get3A_276 = arith.index_cast %add3A_275 : i32 to index
        %get3A_277 = tpu.vector_load %arg6[%get3A_276] {strides = array<i32>} : memref<16384xi32, #tpu.memory_space<vmem>>, vector<16xi32>,
        %gather3A_278 = tpu.vector_load_idx %arg5[%get3A_277] : memref<100000xf32, #tpu.memory_space<vmem>>[vector<16xi32>], vector<16xf32>,
        %mul3A_279 = arith.constant 256 : i32
        %mul3A_280 = arith.muli %scan3A_168, %mul3A_279 : i32
        %add3A_281 = arith.constant 128 : i32
        %add3A_282 = arith.addi %mul3A_280, %add3A_281 : i32
        %swap3A_283 = arith.constant 1 : i32
        %swap3A_284 = arith.index_cast %swap3A_283 : i32 to index
        %swap3A_285 = arith.index_cast %add3A_282 : i32 to index
        %swap3A_286 = tpu.vector_load %arg7[%swap3A_284, %swap3A_285] {strides = array<i32>} : memref<2x4096xf32, #tpu.memory_space<vmem>>, vector<16xf32>,
        tpu.vector_store %arg7[%swap3A_284, %swap3A_285], %gather3A_278 {strides = array<i32>} : memref<2x4096xf32, #tpu.memory_space<vmem>>, vector<16xf32>,
        %add3A_287 = arith.constant 144 : i32
        %add3A_288 = arith.addi %add3A_172, %add3A_287 : i32
        %get3A_289 = arith.index_cast %add3A_288 : i32 to index
        %get3A_290 = tpu.vector_load %arg6[%get3A_289] {strides = array<i32>} : memref<16384xi32, #tpu.memory_space<vmem>>, vector<16xi32>,
        %gather3A_291 = tpu.vector_load_idx %arg5[%get3A_290] : memref<100000xf32, #tpu.memory_space<vmem>>[vector<16xi32>], vector<16xf32>,
        %mul3A_292 = arith.constant 256 : i32
        %mul3A_293 = arith.muli %scan3A_168, %mul3A_292 : i32
        %add3A_294 = arith.constant 144 : i32
        %add3A_295 = arith.addi %mul3A_293, %add3A_294 : i32
        %swap3A_296 = arith.constant 1 : i32
        %swap3A_297 = arith.index_cast %swap3A_296 : i32 to index
        %swap3A_298 = arith.index_cast %add3A_295 : i32 to index
        %swap3A_299 = tpu.vector_load %arg7[%swap3A_297, %swap3A_298] {strides = array<i32>} : memref<2x4096xf32, #tpu.memory_space<vmem>>, vector<16xf32>,
        tpu.vector_store %arg7[%swap3A_297, %swap3A_298], %gather3A_291 {strides = array<i32>} : memref<2x4096xf32, #tpu.memory_space<vmem>>, vector<16xf32>,
        %add3A_300 = arith.constant 160 : i32
        %add3A_301 = arith.addi %add3A_172, %add3A_300 : i32
        %get3A_302 = arith.index_cast %add3A_301 : i32 to index
        %get3A_303 = tpu.vector_load %arg6[%get3A_302] {strides = array<i32>} : memref<16384xi32, #tpu.memory_space<vmem>>, vector<16xi32>,
        %gather3A_304 = tpu.vector_load_idx %arg5[%get3A_303] : memref<100000xf32, #tpu.memory_space<vmem>>[vector<16xi32>], vector<16xf32>,
        %mul3A_305 = arith.constant 256 : i32
        %mul3A_306 = arith.muli %scan3A_168, %mul3A_305 : i32
        %add3A_307 = arith.constant 160 : i32
        %add3A_308 = arith.addi %mul3A_306, %add3A_307 : i32
        %swap3A_309 = arith.constant 1 : i32
        %swap3A_310 = arith.index_cast %swap3A_309 : i32 to index
        %swap3A_311 = arith.index_cast %add3A_308 : i32 to index
        %swap3A_312 = tpu.vector_load %arg7[%swap3A_310, %swap3A_311] {strides = array<i32>} : memref<2x4096xf32, #tpu.memory_space<vmem>>, vector<16xf32>,
        tpu.vector_store %arg7[%swap3A_310, %swap3A_311], %gather3A_304 {strides = array<i32>} : memref<2x4096xf32, #tpu.memory_space<vmem>>, vector<16xf32>,
        %add3A_313 = arith.constant 176 : i32
        %add3A_314 = arith.addi %add3A_172, %add3A_313 : i32
        %get3A_315 = arith.index_cast %add3A_314 : i32 to index
        %get3A_316 = tpu.vector_load %arg6[%get3A_315] {strides = array<i32>} : memref<16384xi32, #tpu.memory_space<vmem>>, vector<16xi32>,
        %gather3A_317 = tpu.vector_load_idx %arg5[%get3A_316] : memref<100000xf32, #tpu.memory_space<vmem>>[vector<16xi32>], vector<16xf32>,
        %mul3A_318 = arith.constant 256 : i32
        %mul3A_319 = arith.muli %scan3A_168, %mul3A_318 : i32
        %add3A_320 = arith.constant 176 : i32
        %add3A_321 = arith.addi %mul3A_319, %add3A_320 : i32
        %swap3A_322 = arith.constant 1 : i32
        %swap3A_323 = arith.index_cast %swap3A_322 : i32 to index
        %swap3A_324 = arith.index_cast %add3A_321 : i32 to index
        %swap3A_325 = tpu.vector_load %arg7[%swap3A_323, %swap3A_324] {strides = array<i32>} : memref<2x4096xf32, #tpu.memory_space<vmem>>, vector<16xf32>,
        tpu.vector_store %arg7[%swap3A_323, %swap3A_324], %gather3A_317 {strides = array<i32>} : memref<2x4096xf32, #tpu.memory_space<vmem>>, vector<16xf32>,
        %add3A_326 = arith.constant 192 : i32
        %add3A_327 = arith.addi %add3A_172, %add3A_326 : i32
        %get3A_328 = arith.index_cast %add3A_327 : i32 to index
        %get3A_329 = tpu.vector_load %arg6[%get3A_328] {strides = array<i32>} : memref<16384xi32, #tpu.memory_space<vmem>>, vector<16xi32>,
        %gather3A_330 = tpu.vector_load_idx %arg5[%get3A_329] : memref<100000xf32, #tpu.memory_space<vmem>>[vector<16xi32>], vector<16xf32>,
        %mul3A_331 = arith.constant 256 : i32
        %mul3A_332 = arith.muli %scan3A_168, %mul3A_331 : i32
        %add3A_333 = arith.constant 192 : i32
        %add3A_334 = arith.addi %mul3A_332, %add3A_333 : i32
        %swap3A_335 = arith.constant 1 : i32
        %swap3A_336 = arith.index_cast %swap3A_335 : i32 to index
        %swap3A_337 = arith.index_cast %add3A_334 : i32 to index
        %swap3A_338 = tpu.vector_load %arg7[%swap3A_336, %swap3A_337] {strides = array<i32>} : memref<2x4096xf32, #tpu.memory_space<vmem>>, vector<16xf32>,
        tpu.vector_store %arg7[%swap3A_336, %swap3A_337], %gather3A_330 {strides = array<i32>} : memref<2x4096xf32, #tpu.memory_space<vmem>>, vector<16xf32>,
        %add3A_339 = arith.constant 208 : i32
        %add3A_340 = arith.addi %add3A_172, %add3A_339 : i32
        %get3A_341 = arith.index_cast %add3A_340 : i32 to index
        %get3A_342 = tpu.vector_load %arg6[%get3A_341] {strides = array<i32>} : memref<16384xi32, #tpu.memory_space<vmem>>, vector<16xi32>,
        %gather3A_343 = tpu.vector_load_idx %arg5[%get3A_342] : memref<100000xf32, #tpu.memory_space<vmem>>[vector<16xi32>], vector<16xf32>,
        %mul3A_344 = arith.constant 256 : i32
        %mul3A_345 = arith.muli %scan3A_168, %mul3A_344 : i32
        %add3A_346 = arith.constant 208 : i32
        %add3A_347 = arith.addi %mul3A_345, %add3A_346 : i32
        %swap3A_348 = arith.constant 1 : i32
        %swap3A_349 = arith.index_cast %swap3A_348 : i32 to index
        %swap3A_350 = arith.index_cast %add3A_347 : i32 to index
        %swap3A_351 = tpu.vector_load %arg7[%swap3A_349, %swap3A_350] {strides = array<i32>} : memref<2x4096xf32, #tpu.memory_space<vmem>>, vector<16xf32>,
        tpu.vector_store %arg7[%swap3A_349, %swap3A_350], %gather3A_343 {strides = array<i32>} : memref<2x4096xf32, #tpu.memory_space<vmem>>, vector<16xf32>,
        %add3A_352 = arith.constant 224 : i32
        %add3A_353 = arith.addi %add3A_172, %add3A_352 : i32
        %get3A_354 = arith.index_cast %add3A_353 : i32 to index
        %get3A_355 = tpu.vector_load %arg6[%get3A_354] {strides = array<i32>} : memref<16384xi32, #tpu.memory_space<vmem>>, vector<16xi32>,
        %gather3A_356 = tpu.vector_load_idx %arg5[%get3A_355] : memref<100000xf32, #tpu.memory_space<vmem>>[vector<16xi32>], vector<16xf32>,
        %mul3A_357 = arith.constant 256 : i32
        %mul3A_358 = arith.muli %scan3A_168, %mul3A_357 : i32
        %add3A_359 = arith.constant 224 : i32
        %add3A_360 = arith.addi %mul3A_358, %add3A_359 : i32
        %swap3A_361 = arith.constant 1 : i32
        %swap3A_362 = arith.index_cast %swap3A_361 : i32 to index
        %swap3A_363 = arith.index_cast %add3A_360 : i32 to index
        %swap3A_364 = tpu.vector_load %arg7[%swap3A_362, %swap3A_363] {strides = array<i32>} : memref<2x4096xf32, #tpu.memory_space<vmem>>, vector<16xf32>,
        tpu.vector_store %arg7[%swap3A_362, %swap3A_363], %gather3A_356 {strides = array<i32>} : memref<2x4096xf32, #tpu.memory_space<vmem>>, vector<16xf32>,
        %add3A_365 = arith.constant 240 : i32
        %add3A_366 = arith.addi %add3A_172, %add3A_365 : i32
        %get3A_367 = arith.index_cast %add3A_366 : i32 to index
        %get3A_368 = tpu.vector_load %arg6[%get3A_367] {strides = array<i32>} : memref<16384xi32, #tpu.memory_space<vmem>>, vector<16xi32>,
        %gather3A_369 = tpu.vector_load_idx %arg5[%get3A_368] : memref<100000xf32, #tpu.memory_space<vmem>>[vector<16xi32>], vector<16xf32>,
        %mul3A_370 = arith.constant 256 : i32
        %mul3A_371 = arith.muli %scan3A_168, %mul3A_370 : i32
        %add3A_372 = arith.constant 240 : i32
        %add3A_373 = arith.addi %mul3A_371, %add3A_372 : i32
        %swap3A_374 = arith.constant 1 : i32
        %swap3A_375 = arith.index_cast %swap3A_374 : i32 to index
        %swap3A_376 = arith.index_cast %add3A_373 : i32 to index
        %swap3A_377 = tpu.vector_load %arg7[%swap3A_375, %swap3A_376] {strides = array<i32>} : memref<2x4096xf32, #tpu.memory_space<vmem>>, vector<16xf32>,
        tpu.vector_store %arg7[%swap3A_375, %swap3A_376], %gather3A_369 {strides = array<i32>} : memref<2x4096xf32, #tpu.memory_space<vmem>>, vector<16xf32>,
      }
      %scan3A_115 = arith.constant 16 : i32
      %mul3A_116 = arith.constant 16384 : i32
      %mul3A_117 = arith.muli %add3A_11, %mul3A_116 : i32
      %add3A_118 = arith.constant 4096 : i32
      %add3A_119 = arith.addi %mul3A_117, %add3A_118 : i32
      %dma_wait3A_120 = arith.constant 1 : i32
      %dma_wait3A_121 = arith.constant 0 : i32
      %dma_wait3A_122 = tpu.memref_slice %arg7[%dma_wait3A_120, %dma_wait3A_121] : memref<2x4096xf32, #tpu.memory_space<vmem>> -> memref<1x4096xf32, #tpu.memory_space<vmem>>
      %dma_wait3A_123 = tpu.memref_squeeze %dma_wait3A_122 : memref<1x4096xf32, #tpu.memory_space<vmem>> -> memref<4096xf32, #tpu.memory_space<vmem>>
      %dma_wait3A_124 = tpu.memref_slice %arg4[%add3A_119] : memref<13631488xf32, #tpu.memory_space<hbm>> -> memref<4096xf32, #tpu.memory_space<hbm>>
      %dma_wait3A_125 = tpu.memref_slice %arg4[%add3A_119] : memref<13631488xf32, #tpu.memory_space<hbm>> -> memref<4096xf32, #tpu.memory_space<hbm>>
      %dma_wait3A_126 = arith.constant 0 : i32
      %dma_wait3A_127 = tpu.memref_slice %arg7[%dma_wait3A_120, %dma_wait3A_126] : memref<2x4096xf32, #tpu.memory_space<vmem>> -> memref<1x4096xf32, #tpu.memory_space<vmem>>
      %dma_wait3A_128 = tpu.memref_squeeze %dma_wait3A_127 : memref<1x4096xf32, #tpu.memory_space<vmem>> -> memref<4096xf32, #tpu.memory_space<vmem>>
      tpu.wait_dma2 semaphore(%arg8 : memref<!tpu.dma_semaphore, #tpu.memory_space<semaphore_mem>>) src(%dma_wait3A_128 : memref<4096xf32, #tpu.memory_space<vmem>>) dst(%dma_wait3A_125 : memref<4096xf32, #tpu.memory_space<hbm>>)
      %mul3A_129 = arith.constant 16384 : i32
      %mul3A_130 = arith.muli %add3A_11, %mul3A_129 : i32
      %add3A_131 = arith.constant 12288 : i32
      %add3A_132 = arith.addi %mul3A_130, %add3A_131 : i32
      %dma_start3A_133 = arith.constant 1 : i32
      %dma_start3A_134 = arith.constant 0 : i32
      %dma_start3A_135 = tpu.memref_slice %arg7[%dma_start3A_133, %dma_start3A_134] : memref<2x4096xf32, #tpu.memory_space<vmem>> -> memref<1x4096xf32, #tpu.memory_space<vmem>>
      %dma_start3A_136 = tpu.memref_squeeze %dma_start3A_135 : memref<1x4096xf32, #tpu.memory_space<vmem>> -> memref<4096xf32, #tpu.memory_space<vmem>>
      %dma_start3A_137 = tpu.memref_slice %arg4[%add3A_132] : memref<13631488xf32, #tpu.memory_space<hbm>> -> memref<4096xf32, #tpu.memory_space<hbm>>
      %dma_start3A_138 = tpu.memref_slice %arg4[%add3A_132] : memref<13631488xf32, #tpu.memory_space<hbm>> -> memref<4096xf32, #tpu.memory_space<hbm>>
      %dma_start3A_139 = arith.constant 0 : i32
      %dma_start3A_140 = tpu.memref_slice %arg7[%dma_start3A_133, %dma_start3A_139] : memref<2x4096xf32, #tpu.memory_space<vmem>> -> memref<1x4096xf32, #tpu.memory_space<vmem>>
      %dma_start3A_141 = tpu.memref_squeeze %dma_start3A_140 : memref<1x4096xf32, #tpu.memory_space<vmem>> -> memref<4096xf32, #tpu.memory_space<vmem>>
      tpu.enqueue_dma source(%dma_start3A_141 : memref<4096xf32, #tpu.memory_space<vmem>>) target(%dma_start3A_138 : memref<4096xf32, #tpu.memory_space<hbm>>) target_semaphore(%arg8 : memref<!tpu.dma_semaphore, #tpu.memory_space<semaphore_mem>>)
      %mul3A_142 = arith.constant 16384 : i32
      %mul3A_143 = arith.muli %add3A_11, %mul3A_142 : i32
      %add3A_144 = arith.constant 8192 : i32
      %add3A_145 = arith.addi %mul3A_143, %add3A_144 : i32
      %dma_wait3A_146 = arith.constant 0 : i32
      %dma_wait3A_147 = arith.constant 0 : i32
      %dma_wait3A_148 = tpu.memref_slice %arg7[%dma_wait3A_146, %dma_wait3A_147] : memref<2x4096xf32, #tpu.memory_space<vmem>> -> memref<1x4096xf32, #tpu.memory_space<vmem>>
      %dma_wait3A_149 = tpu.memref_squeeze %dma_wait3A_148 : memref<1x4096xf32, #tpu.memory_space<vmem>> -> memref<4096xf32, #tpu.memory_space<vmem>>
      %dma_wait3A_150 = tpu.memref_slice %arg4[%add3A_145] : memref<13631488xf32, #tpu.memory_space<hbm>> -> memref<4096xf32, #tpu.memory_space<hbm>>
      %dma_wait3A_151 = tpu.memref_slice %arg4[%add3A_145] : memref<13631488xf32, #tpu.memory_space<hbm>> -> memref<4096xf32, #tpu.memory_space<hbm>>
      %dma_wait3A_152 = arith.constant 0 : i32
      %dma_wait3A_153 = tpu.memref_slice %arg7[%dma_wait3A_146, %dma_wait3A_152] : memref<2x4096xf32, #tpu.memory_space<vmem>> -> memref<1x4096xf32, #tpu.memory_space<vmem>>
      %dma_wait3A_154 = tpu.memref_squeeze %dma_wait3A_153 : memref<1x4096xf32, #tpu.memory_space<vmem>> -> memref<4096xf32, #tpu.memory_space<vmem>>
      tpu.wait_dma2 semaphore(%arg8 : memref<!tpu.dma_semaphore, #tpu.memory_space<semaphore_mem>>) src(%dma_wait3A_154 : memref<4096xf32, #tpu.memory_space<vmem>>) dst(%dma_wait3A_151 : memref<4096xf32, #tpu.memory_space<hbm>>)
      %mul3A_155 = arith.constant 16384 : i32
      %mul3A_156 = arith.muli %add3A_11, %mul3A_155 : i32
      %add3A_157 = arith.constant 12288 : i32
      %add3A_158 = arith.addi %mul3A_156, %add3A_157 : i32
      %dma_wait3A_159 = arith.constant 1 : i32
      %dma_wait3A_160 = arith.constant 0 : i32
      %dma_wait3A_161 = tpu.memref_slice %arg7[%dma_wait3A_159, %dma_wait3A_160] : memref<2x4096xf32, #tpu.memory_space<vmem>> -> memref<1x4096xf32, #tpu.memory_space<vmem>>
      %dma_wait3A_162 = tpu.memref_squeeze %dma_wait3A_161 : memref<1x4096xf32, #tpu.memory_space<vmem>> -> memref<4096xf32, #tpu.memory_space<vmem>>
      %dma_wait3A_163 = tpu.memref_slice %arg4[%add3A_158] : memref<13631488xf32, #tpu.memory_space<hbm>> -> memref<4096xf32, #tpu.memory_space<hbm>>
      %dma_wait3A_164 = tpu.memref_slice %arg4[%add3A_158] : memref<13631488xf32, #tpu.memory_space<hbm>> -> memref<4096xf32, #tpu.memory_space<hbm>>
      %dma_wait3A_165 = arith.constant 0 : i32
      %dma_wait3A_166 = tpu.memref_slice %arg7[%dma_wait3A_159, %dma_wait3A_165] : memref<2x4096xf32, #tpu.memory_space<vmem>> -> memref<1x4096xf32, #tpu.memory_space<vmem>>
      %dma_wait3A_167 = tpu.memref_squeeze %dma_wait3A_166 : memref<1x4096xf32, #tpu.memory_space<vmem>> -> memref<4096xf32, #tpu.memory_space<vmem>>
      tpu.wait_dma2 semaphore(%arg8 : memref<!tpu.dma_semaphore, #tpu.memory_space<semaphore_mem>>) src(%dma_wait3A_167 : memref<4096xf32, #tpu.memory_space<vmem>>) dst(%dma_wait3A_164 : memref<4096xf32, #tpu.memory_space<hbm>>)
      scf.yield %select_n3A : i32
    }
    %scan3A_8 = arith.constant 26 : i32
    return
  }
}

</mosaic_0001>

<sc_bundles>
// kernel: kernel.3.cloned.1.call-start
scs
__scs_entry_jumppad:
0x0: {  	(pc) =	sbr.rel $0x88, $3  }
0x1: {  	(tag) =	ssettag $0x0;
	lr =	simm.s32 $0x1  }
0x2: {  	[smem:$0x3F9F] =	sst lr;
	_ =	strace $0xD0000000  }
0x3: {  	_ = 	snop  }
0x4: {  	_ = 	snop  }
0x5: {  	_ = 	snop  }
0x6: {  	_ = 	snop  }
0x7: {  	_ = 	snop  }
__scs_overlays_trampoline_lowered:
0x8: {  	[smem:$0x3FAE] =	sst s0  }
0x9: {  	[smem:$0x3FAF] =	sst s1  }
0xa: {  	[smem:$0x3FB0] =	sst s2  }
0xb: {  	[smem:$0x3FB1] =	sst s3  }
0xc: {  	[smem:$0x3FB2] =	sst s4  }
0xd: {  	[smem:$0x3FB3] =	sst s5  }
0xe: {  	[smem:$0x3FB4] =	sst s6  }
0xf: {  	[smem:$0x3FB5] =	sst s7  }
0x10: {  	[smem:$0x3FB6] =	sst s8  }
0x11: {  	[smem:$0x3FB7] =	sst s9;
	s0 =	simm.s32 @!p0 $0x0  }
0x12: {  	s1 =	sld [smem:$0x3F9D];
	s0 =	simm.s32 @p0 $0x1  }
0x13: {  	[smem:$0x3FB8] =	sst s0;
	s0 =	simm.s32 @!p1 $0x0  }
0x14: {  	s2 =	sld [smem:$0x3F9C];
	s0 =	simm.s32 @p1 $0x1  }
0x15: {  	[smem:$0x3FB9] =	sst s0;
	s0 =	simm.s32 @!p2 $0x0  }
0x16: {  	s3 =	sld [smem:$0x3FDB];
	s0 =	simm.s32 @p2 $0x1  }
0x17: {  	s4 =	simm.s32 $0x1BF5;
	[smem:$0x3FBB] =	sst s0  }
0x18: {  	s0 =	sld [smem:$0x3F9E];
	_ =	swait.ge [sflag:s4], $0x0  }
0x19: {  	s7 =	sld [smem:$0x3F9F]  }
0x1a: {  	s8 =	sadd.s32 $0xFFFFE003, lr  }
0x1b: {  	s9 =	sadd.s32 $0xFFFFFEF7, lr;
	s5 =	simm.s32 $0xFFFFFFFF;
	p2 =	slt.u32 s8, $0xFFFFF086  }
0x1c: {  	p1 =	slt.u32 s9, $0xF7A;
	s5 =	simm.s32 @!p2 $0x0  }
0x1d: {  	s5 =	simm.s32 @p1 $0x1;
	p0 =	seq.s32 s7, s2  }
0x1e: {  	s7 =	smul.u32 @!p0 $0xF7A, s2;
	p2 =	seq.s32 @!p0 s5, $0x0  }
0x1f: {  	s9 =	smul.u32 $0xF7A, s1;
	s8 =	simm.s32 @!p0 $0x1BF5;
	p2 =	por !p2, p0  }
0x20: {  	[sflag:s8] =	ssyncset.s32 @!p0 $0xFFFFF086;
	s6 =	sadd.s32 @!p0 s3, s7;
	s7 =	simm.s32 @!p0 $0x108  }
0x21: {  	s3 =	sadd.s32 s3, s9;
	s6 =	sadd.s32 @!p0 $0x88, s6;
	s7 =	simm.s32 @p2 $0x1082  }
0x22: {  	[simem:s7], [sflag:s8] =	dma.local @!p0 [hbm:s6], $0xF7A  }
0x23: {  	s9 =	sor.u32 $0xD0000000, s2;
	s6 =	simm.s32 $0x108;
	_ =	swait.ge @!p0 [sflag:s8], $0x0  }
0x24: {  	s3 =	sadd.s32 $0x88, s3;
	s6 =	simm.s32 @!p1 $0x1082;
	[sflag:s4] =	ssyncset.s32 $0xFFFFF086  }
0x25: {  	[simem:s6], [sflag:s4] =	dma.local [hbm:s3], $0xF7A  }
0x26: {  	[smem:$0x3F9F] =	sst s1;
	(tag) =	ssettag s2;
	_ =	strace s9  }
0x27: {  	s1 =	sld [smem:$0x3FAF]  }
0x28: {  	s2 =	sld [smem:$0x3FB0]  }
0x29: {  	s4 =	sld [smem:$0x3FB2]  }
0x2a: {  	p0 =	seq.s32 s5, $0x0;
	s5 =	sld [smem:$0x3FB3]  }
0x2b: {  	s6 =	sld [smem:$0x3FB4]  }
0x2c: {  	s7 =	sld [smem:$0x3FB5]  }
0x2d: {  	s3 =	simm.s32 $0x108;
	s8 =	sld [smem:$0x3FB6]  }
0x2e: {  	s3 =	simm.s32 @!p0 $0x1082;
	s9 =	sld [smem:$0x3FB7]  }
0x2f: {  	lr =	sadd.s32 s0, s3;
	s0 =	sld [smem:$0x3FAE]  }
0x30: {  	s3 =	sld [smem:$0x3FB1]  }
0x31: {  	[smem:$0x3FBA] =	sst s10  }
0x32: {  	s10 =	sld [smem:$0x3FB8];
	_ =	sdelay $0x3  }
0x33: {  	p0 =	seq.s32 s10, $0x1;
	s10 =	sld [smem:$0x3FBA];
	_ =	sdelay $0x3  }
0x34: {  	[smem:$0x3FBA] =	sst s10  }
0x35: {  	s10 =	sld [smem:$0x3FB9];
	_ =	sdelay $0x3  }
0x36: {  	p1 =	seq.s32 s10, $0x1;
	s10 =	sld [smem:$0x3FBA];
	_ =	sdelay $0x3  }
0x37: {  	[smem:$0x3FBA] =	sst s10  }
0x38: {  	s10 =	sld [smem:$0x3FBB]  }
0x39: {  	_ = 	snop;
	(pc) =	sbr.ind lr, $3  }
0x3a: {  	_ = 	snop  }
0x3b: {  	_ = 	snop  }
0x3c: {  	p2 =	seq.s32 s10, $0x1;
	s10 =	sld [smem:$0x3FBA]  }
0x3d: {  	_ =	shalt  }
0x3e: {  	_ =	shalt  }
0x3f: {  	_ =	shalt  }
0x40: {  	_ =	shalt  }
0x41: {  	_ =	shalt  }
0x42: {  	_ =	shalt  }
0x43: {  	_ =	shalt  }
0x44: {  	_ =	shalt  }
0x45: {  	_ =	shalt  }
0x46: {  	_ =	shalt  }
0x47: {  	_ =	shalt  }
0x48: {  	_ =	shalt  }
0x49: {  	_ =	shalt  }
0x4a: {  	_ =	shalt  }
0x4b: {  	_ =	shalt  }
0x4c: {  	_ =	shalt  }
0x4d: {  	_ =	shalt  }
0x4e: {  	_ =	shalt  }
0x4f: {  	_ =	shalt  }
0x50: {  	_ =	shalt  }
0x51: {  	_ =	shalt  }
0x52: {  	_ =	shalt  }
0x53: {  	_ =	shalt  }
0x54: {  	_ =	shalt  }
0x55: {  	_ =	shalt  }
0x56: {  	_ =	shalt  }
0x57: {  	_ =	shalt  }
0x58: {  	_ =	shalt  }
0x59: {  	_ =	shalt  }
0x5a: {  	_ =	shalt  }
0x5b: {  	_ =	shalt  }
0x5c: {  	_ =	shalt  }
0x5d: {  	_ =	shalt  }
0x5e: {  	_ =	shalt  }
0x5f: {  	_ =	shalt  }
0x60: {  	_ =	shalt  }
0x61: {  	_ =	shalt  }
0x62: {  	_ =	shalt  }
0x63: {  	_ =	shalt  }
0x64: {  	_ =	shalt  }
0x65: {  	_ =	shalt  }
0x66: {  	_ =	shalt  }
0x67: {  	_ =	shalt  }
0x68: {  	_ =	shalt  }
0x69: {  	_ =	shalt  }
0x6a: {  	_ =	shalt  }
0x6b: {  	_ =	shalt  }
0x6c: {  	_ =	shalt  }
0x6d: {  	_ =	shalt  }
0x6e: {  	_ =	shalt  }
0x6f: {  	_ =	shalt  }
0x70: {  	_ =	shalt  }
0x71: {  	_ =	shalt  }
0x72: {  	_ =	shalt  }
0x73: {  	_ =	shalt  }
0x74: {  	_ =	shalt  }
0x75: {  	_ =	shalt  }
0x76: {  	_ =	shalt  }
0x77: {  	_ =	shalt  }
0x78: {  	_ =	shalt  }
0x79: {  	_ =	shalt  }
0x7a: {  	_ =	shalt  }
0x7b: {  	_ =	shalt  }
0x7c: {  	_ =	shalt  }
0x7d: {  	_ =	shalt  }
0x7e: {  	_ =	shalt  }
0x7f: {  	_ =	shalt  }
0x80: {  	_ =	shalt  }
0x81: {  	_ =	shalt  }
0x82: {  	_ =	shalt  }
0x83: {  	_ =	shalt  }
0x84: {  	_ =	shalt  }
0x85: {  	_ =	shalt  }
0x86: {  	_ =	shalt  }
0x87: {  	_ =	shalt  }
.Lfunc_end0:
.L_simem_size_0:
called_computation_lowered:
.L_overlay_start_0:
0x88: {  	s2 =	sld [smem:$0x3FD9]  }
0x89: {  	s3 =	sld [smem:$0x3FFE];
	_ =	sdelay $0x1  }
0x8a: {  	s1 =	srdreg.scid  }
0x8b: {  	s0 =	sand.u32 $0x1, s1  }
0x8c: {  	s17 =	sshll.u32 s0, $0xA;
	s2 =	sadd.s32 s3, s2  }
0x8d: {  	s2 =	sadd.s32 s2, s17  }
0x8e: {  	[smem:$0x3FC6] =	sst s2  }
0x8f: {  	_ = 	snop  }
0x90: {  	s2 =	sld [smem:$0x3FD0];
	(tm) =	ssettm $0x1  }
0x91: {  	s18 =	sld [smem:$0x3FFB];
	_ =	sdelay $0x3  }
0x92: {  	_ =	strace s18  }
0x93: {  	s3 =	sld [smem:$0x3FFC];
	_ =	sdelay $0x3  }
0x94: {  	_ =	strace s3  }
0x95: {  	s3 =	sld [smem:$0x3FFD];
	_ =	sdelay $0x3  }
0x96: {  	_ =	strace s3  }
0x97: {  	_ =	strace $0x8FFFFFFF  }
0x98: {  	s19 =	sld [smem:$0x3FDB];
	_ =	sdelay $0x1  }
0x99: {  	s4 =	simm.s32 $_scs_section_size  }
0x9a: {  	s5 =	simm.s32 $_size__tile_overlayer_lowered;
	s6 =	simm.s32 $_tile_overlayer_lowered  }
0x9b: {  	s22 =	simm.s32 $0x1BFF;
	s21 =	sshll.u32 s6, $0x1;
	s3 =	sadd.s32 s4, s19  }
0x9c: {  	s7 =	simm.s32 $0x0;
	s20 =	sshll.u32 s5, $0x1;
	s5 =	sadd.s32 s21, s3  }
0x9d: {  	[timem:s7], [sflag:s22] =	dma.local [hbm:s5], s20  }
0x9e: {  	_ =	swait.ge [sflag:s22], s20  }
0x9f: {  	s4 =	ssub.s32 $0x0, s20;
	[sflag:s22] =	ssyncset.done $0x0  }
0xa0: {  	[sflag:s22] =	ssyncadd.s32 s4;
	_ =	sdelay $0x1  }
0xa1: {  	s23 =	simm.s32 $0x1B8B  }
0xa2: {  	_ =	swait.ge [sflag:s23], $0x1  }
0xa3: {  	[sflag:s23] =	ssyncset.done $0x0  }
0xa4: {  	s25 =	simm.s32 $0x1B8E;
	s24 =	sld [smem:$0x3FFE];
	[sflag:s23] =	ssyncadd.s32 $0xFFFFFFFF  }
0xa5: {  	s26 =	simm.s32 $execute0_lowered;
	[smem:$0x3FD2] =	sst s25  }
0xa6: {  	s5 =	sshll.u32 s26, $0x1;
	_ =	strace $0x80000046;
	[dreg:$0x1] =	wrdreg $0xFFFFFFFF  }
0xa7: {  	s28 =	simm.s32 $_size_execute0_lowered;
	s3 =	sadd.s32 s3, s5;
	[dreg:$0x0] =	wrdreg $0x0  }
0xa8: {  	s5 =	sshll.u32 s28, $0x1;
	[dreg:$0x2] =	wrdreg s3  }
0xa9: {  	[dreg:$0x3] =	wrdreg s5  }
0xaa: {  	[dreg:$0x4] =	wrdreg $0xC0  }
0xab: {  	_ =	task [dreg:s7], $0x5FFFF  }
0xac: {  	[dreg:$0x1] =	wrdreg $0xFFFFFFFF  }
0xad: {  	[dreg:$0x0] =	wrdreg $0x60  }
0xae: {  	[dreg:$0x2] =	wrdreg s24  }
0xaf: {  	[dreg:$0x3] =	wrdreg s2  }
0xb0: {  	[dreg:$0x4] =	wrdreg $0x9  }
0xb1: {  	_ =	task.clear_ibuf [dreg:s7], $0x5FFFF;
	_ =	strace $0x90000046  }
0xb2: {  	s29 =	simm.s32 $0x9;
	_ =	strace $0x80000048  }
0xb3: {  	_ =	swait.ge [sflag:s29], $0x1  }
0xb4: {  	[sflag:s29] =	ssyncadd.s32 $0xFFFFFFFF  }
0xb5: {  	_ =	strace $0x90000048  }
0xb6: {  	_ =	sfence  }
0xb7: {  	s30 =	sld [smem:$0x0];
	_ =	sdelay $0x2  }
0xb8: {  	s31 =	sshll.u32 s1, $0xD;
	s1 =	sshrl.u32 s1, $0x2  }
0xb9: {  	s3 =	sand.u32 $0x4000, s31;
	s1 =	sadd.s32 s1, s30  }
0xba: {  	s0 =	sor.u32 s3, s0;
	s1 =	sshll.u32 s1, $0x11  }
0xbb: {  	s0 =	sor.u32 s1, s0  }
0xbc: {  	s0 =	sadd.s32 $0x8F2B, s0  }
0xbd: {  	[sflag:s0] =	ssyncadd.remote.s32 $0x1  }
0xbe: {  	_ =	sfence.sel $0xFFFF  }
0xbf: {  	[dreg:$0x0] =	wrdreg $0xFFFFFFFF;
	(pc) =	sbr.abs _section_cstart, $3  }
0xc0: {  	[dreg:$0x1] =	wrdreg $0xFFFFFFFF  }
0xc1: {  	_ =	task.clear_ibuf [dreg:s7], $0x2FFFF;
	_ =	strace $0x9FFFFFFF  }
0xc2: {  	(tm) =	ssettm $0x7FFFFFFF  }
0xc3: {  	_ =	shalt  }
tec
execute0_lowered:
.L_overlay_start_1:
0x0: {  	(tag) =	ssettag $0x1  }
0x1: {  	s9 =	rddreg [dreg:$0x0]  }
0x2: {  	s1 =	rddreg [dreg:$0x1]  }
0x3: {  	s0 =	rddreg [dreg:$0x2];
	s3 =	simm.s32 $0x0;
	s5 =	srdreg.scid  }
0x4: {  	s2 =	stileid.u32;
	s11 =	simm.s32 $0x2;
	s12 =	simm.s32 $0x1C6A0  }
0x5: {  	s13 =	simm.s32 $0x1D6A0;
	s14 =	simm.s32 $0x1;
	s15 =	simm.s32 $0x0  }
0x6: {  	[smem:$0x7FF] =	sst s3;
	s4 =	sadd.s32 $0x400, s9;
	s6 =	sand.u32 $0x1, s5  }
0x7: {  	s7 =	sshll.u32 s2, $0x1;
	s5 =	sadd.s32 $0x9EB600, s9;
	s8 =	ssub.s32 $0x2, s6  }
0x8: {  	_ =	strace $0x80000047;
	s6 =	sor.u32 s6, s7;
	s10 =	sshrl.u32 s8, $0x1  }
0x9: {  	s7 =	sadd.s32 $0x9EB800, s9;
	s6 =	smul.u32 $0x1A, s6;
	s10 =	ssub.s32 s8, s10  }
0xa: {  	s8 =	sadd.s32 $0x9EBA00, s9;
	s9 =	sadd.s32 $0x9EBC00, s9;
	s10 =	smax.u32 s10, $0x1  }
.LBB2_1:
0xb: {  	s17 =	simm.s32 $0xFFFFFFFF;
	s16 =	simm.s32 $0x0  }
.LBB2_2:
0xc: {  	s18 =	sadd.s32 s6, s16  }
0xd: {  	s19 =	smov.u32 s17;
	s17 =	sshrl.u32 s18, $0x5  }
0xe: {  	p0 =	seq.s32 s17, s19  }
0xf: {  	s19 =	sshll.u32 @!p0 s17, $0xB  }
0x10: {  	s19 =	sand.u32 @!p0 $0x1FFFF800, s19  }
0x11: {  	s20 =	simm.s32 @!p0 $0x0;
	s21 =	simm.s32 @!p0 $0x186A0;
	s19 =	sadd.s32 @!p0 s1, s19  }
0x12: {  	[tilespmem:s21], [sflag:$0x2] =	stream.linear.gather @!p0 [hbm4b:s19+s20], $0x4000, $0x38;
	[tilespmem:$0x1E6A0] =	vst v63  }
0x13: {  	s19 =	simm.s32 @!p0 $0x2  }
0x14: {  	s29 =	smul.u32 $0x30D4, s18;
	_ =	swait.ge @!p0 [sflag:s19], $0x4000  }
0x15: {  	[sflag:s19] =	ssyncset.done @!p0 $0x0  }
0x16: {  	s31 =	simm.s32 $0x0;
	s30 =	sadd.s32 s4, s29;
	[sflag:s19] =	ssyncadd.s32 @!p0 $0xFFFFC000  }
0x17: {  	[tilespmem:s31], [sflag:$0x2] =	stream.linear.gather [hbm4b:s30+s31], $0x186A0, $0x38;
	[tilespmem:$0x1E6A0] =	vst v63  }
0x18: {  	_ =	swait.ge [sflag:s11], $0x186A0  }
0x19: {  	[sflag:s11] =	ssyncset.done $0x0  }
0x1a: {  	s19 =	simm.s32 $0x0;
	[sflag:s11] =	ssyncadd.s32 $0xFFFE7960  }
0x1b: {  	v0 =	vld [tilespmem:s19+$0x186A0];
	_ =	sdelay $0x5  }
0x1c: {  	v1 =	vld [tilespmem:s19+$0x186B0];
	_ =	sdelay $0x1  }
0x1d: {  	v0 =	vld.idx.msk [tilespmem:v0+s3+$0x0], $0xffff;
	_ =	sdelay $0x4  }
0x1e: {  	[tilespmem:s19+$0x1C6A0] =	vst v0;
	v0 =	vld [tilespmem:s19+$0x186C0]  }
0x1f: {  	v1 =	vld.idx.msk [tilespmem:v1+s3+$0x0], $0xffff;
	_ =	sdelay $0x4  }
0x20: {  	[tilespmem:s19+$0x1C6B0] =	vst v1;
	v1 =	vld [tilespmem:s19+$0x186D0];
	_ =	sdelay $0x1  }
0x21: {  	v0 =	vld.idx.msk [tilespmem:v0+s3+$0x0], $0xffff;
	_ =	sdelay $0x4  }
0x22: {  	[tilespmem:s19+$0x1C6C0] =	vst v0;
	v0 =	vld [tilespmem:s19+$0x186E0]  }
0x23: {  	v1 =	vld.idx.msk [tilespmem:v1+s3+$0x0], $0xffff;
	_ =	sdelay $0x4  }
0x24: {  	[tilespmem:s19+$0x1C6D0] =	vst v1;
	v1 =	vld [tilespmem:s19+$0x186F0];
	_ =	sdelay $0x1  }
0x25: {  	v0 =	vld.idx.msk [tilespmem:v0+s3+$0x0], $0xffff;
	_ =	sdelay $0x4  }
0x26: {  	[tilespmem:s19+$0x1C6E0] =	vst v0;
	v0 =	vld [tilespmem:s19+$0x18700]  }
0x27: {  	v1 =	vld.idx.msk [tilespmem:v1+s3+$0x0], $0xffff;
	_ =	sdelay $0x4  }
0x28: {  	[tilespmem:s19+$0x1C6F0] =	vst v1;
	v1 =	vld [tilespmem:s19+$0x18710];
	_ =	sdelay $0x1  }
0x29: {  	v0 =	vld.idx.msk [tilespmem:v0+s3+$0x0], $0xffff;
	_ =	sdelay $0x4  }
0x2a: {  	[tilespmem:s19+$0x1C700] =	vst v0;
	v0 =	vld [tilespmem:s19+$0x18720]  }
0x2b: {  	v1 =	vld.idx.msk [tilespmem:v1+s3+$0x0], $0xffff;
	_ =	sdelay $0x4  }
0x2c: {  	[tilespmem:s19+$0x1C710] =	vst v1;
	v1 =	vld [tilespmem:s19+$0x18730];
	_ =	sdelay $0x1  }
0x2d: {  	v0 =	vld.idx.msk [tilespmem:v0+s3+$0x0], $0xffff;
	_ =	sdelay $0x4  }
0x2e: {  	[tilespmem:s19+$0x1C720] =	vst v0;
	v0 =	vld [tilespmem:s19+$0x18740]  }
0x2f: {  	v1 =	vld.idx.msk [tilespmem:v1+s3+$0x0], $0xffff;
	_ =	sdelay $0x4  }
0x30: {  	[tilespmem:s19+$0x1C730] =	vst v1;
	v1 =	vld [tilespmem:s19+$0x18750];
	_ =	sdelay $0x1  }
0x31: {  	v0 =	vld.idx.msk [tilespmem:v0+s3+$0x0], $0xffff;
	_ =	sdelay $0x4  }
0x32: {  	[tilespmem:s19+$0x1C740] =	vst v0;
	v0 =	vld [tilespmem:s19+$0x18760]  }
0x33: {  	v1 =	vld.idx.msk [tilespmem:v1+s3+$0x0], $0xffff;
	_ =	sdelay $0x4  }
0x34: {  	[tilespmem:s19+$0x1C750] =	vst v1;
	v1 =	vld [tilespmem:s19+$0x18770];
	_ =	sdelay $0x1  }
0x35: {  	v0 =	vld.idx.msk [tilespmem:v0+s3+$0x0], $0xffff;
	_ =	sdelay $0x4  }
0x36: {  	v2 =	vld [tilespmem:s19+$0x18780];
	[tilespmem:s19+$0x1C760] =	vst v0  }
0x37: {  	v0 =	vld.idx.msk [tilespmem:v1+s3+$0x0], $0xffff;
	_ =	sdelay $0x4  }
0x38: {  	[tilespmem:s19+$0x1C770] =	vst v0;
	v0 =	vld [tilespmem:s19+$0x18790];
	_ =	sdelay $0x1  }
0x39: {  	v1 =	vld.idx.msk [tilespmem:v2+s3+$0x0], $0xffff;
	_ =	sdelay $0x3  }
0x3a: {  	s21 =	simm.s32 $0x100;
	s20 =	simm.s32 $0x800  }
.LBB2_3:
0x3b: {  	p0 =	sne.s32 s20, $0x3C00;
	v2 =	vld [tilespmem:s21+$0x186A0];
	[tilespmem:s19+$0x1C780] =	vst v1  }
0x3c: {  	v0 =	vld.idx.msk [tilespmem:v0+s3+$0x0], $0xffff;
	_ =	sdelay $0x5  }
0x3d: {  	v1 =	vld [tilespmem:s21+$0x186B0];
	[tilespmem:s19+$0x1C790] =	vst v0;
	s19 =	smov.u32 s21  }
0x3e: {  	v0 =	vld.idx.msk [tilespmem:v2+s3+$0x0], $0xffff;
	_ =	sdelay $0x5  }
0x3f: {  	[tilespmem:s19+$0x1C6A0] =	vst v0;
	v0 =	vld [tilespmem:s19+$0x186C0]  }
0x40: {  	v1 =	vld.idx.msk [tilespmem:v1+s3+$0x0], $0xffff;
	_ =	sdelay $0x5  }
0x41: {  	[tilespmem:s19+$0x1C6B0] =	vst v1;
	v1 =	vld [tilespmem:s19+$0x186D0]  }
0x42: {  	v0 =	vld.idx.msk [tilespmem:v0+s3+$0x0], $0xffff;
	_ =	sdelay $0x5  }
0x43: {  	[tilespmem:s19+$0x1C6C0] =	vst v0;
	v0 =	vld [tilespmem:s19+$0x186E0]  }
0x44: {  	v1 =	vld.idx.msk [tilespmem:v1+s3+$0x0], $0xffff;
	_ =	sdelay $0x5  }
0x45: {  	[tilespmem:s19+$0x1C6D0] =	vst v1;
	v1 =	vld [tilespmem:s19+$0x186F0]  }
0x46: {  	v0 =	vld.idx.msk [tilespmem:v0+s3+$0x0], $0xffff;
	_ =	sdelay $0x5  }
0x47: {  	[tilespmem:s19+$0x1C6E0] =	vst v0;
	v0 =	vld [tilespmem:s19+$0x18700]  }
0x48: {  	v1 =	vld.idx.msk [tilespmem:v1+s3+$0x0], $0xffff;
	_ =	sdelay $0x5  }
0x49: {  	[tilespmem:s19+$0x1C6F0] =	vst v1;
	v1 =	vld [tilespmem:s19+$0x18710]  }
0x4a: {  	v0 =	vld.idx.msk [tilespmem:v0+s3+$0x0], $0xffff;
	_ =	sdelay $0x5  }
0x4b: {  	[tilespmem:s19+$0x1C700] =	vst v0;
	v0 =	vld [tilespmem:s19+$0x18720]  }
0x4c: {  	v1 =	vld.idx.msk [tilespmem:v1+s3+$0x0], $0xffff;
	_ =	sdelay $0x5  }
0x4d: {  	[tilespmem:s19+$0x1C710] =	vst v1;
	v1 =	vld [tilespmem:s19+$0x18730]  }
0x4e: {  	v0 =	vld.idx.msk [tilespmem:v0+s3+$0x0], $0xffff;
	_ =	sdelay $0x5  }
0x4f: {  	[tilespmem:s19+$0x1C720] =	vst v0;
	v0 =	vld [tilespmem:s19+$0x18740]  }
0x50: {  	v1 =	vld.idx.msk [tilespmem:v1+s3+$0x0], $0xffff;
	_ =	sdelay $0x5  }
0x51: {  	[tilespmem:s19+$0x1C730] =	vst v1;
	v1 =	vld [tilespmem:s19+$0x18750]  }
0x52: {  	v0 =	vld.idx.msk [tilespmem:v0+s3+$0x0], $0xffff;
	_ =	sdelay $0x5  }
0x53: {  	[tilespmem:s19+$0x1C740] =	vst v0;
	v0 =	vld [tilespmem:s19+$0x18760]  }
0x54: {  	v1 =	vld.idx.msk [tilespmem:v1+s3+$0x0], $0xffff;
	_ =	sdelay $0x5  }
0x55: {  	[tilespmem:s19+$0x1C750] =	vst v1;
	v1 =	vld [tilespmem:s19+$0x18770]  }
0x56: {  	v0 =	vld.idx.msk [tilespmem:v0+s3+$0x0], $0xffff;
	_ =	sdelay $0x5  }
0x57: {  	[tilespmem:s19+$0x1C760] =	vst v0;
	v2 =	vld [tilespmem:s19+$0x18780]  }
0x58: {  	v0 =	vld.idx.msk [tilespmem:v1+s3+$0x0], $0xffff;
	_ =	sdelay $0x5  }
0x59: {  	[tilespmem:s19+$0x1C770] =	vst v0;
	v0 =	vld [tilespmem:s19+$0x18790]  }
0x5a: {  	v1 =	vld.idx.msk [tilespmem:v2+s3+$0x0], $0xffff  }
.Ltmp0:
0x5b: {  	(pc) =	sbr.rel @p0 .LBB2_3-.Ltmp0, $2  }
0x5c: {  	_ =	sdelay $0x2  }
0x5d: {  	s21 =	sshra.s32 s20, $0x2;
	s20 =	sadd.s32 $0x400, s20  }
0x5e: {  	_ =	sdelay $0x1  }
0x5f: {  	v2 =	vld [tilespmem:s21+$0x186A0]  }
0x60: {  	[tilespmem:s19+$0x1C780] =	vst v1  }
0x61: {  	v0 =	vld.idx.msk [tilespmem:v0+s3+$0x0], $0xffff;
	_ =	sdelay $0x3  }
0x62: {  	v1 =	vld [tilespmem:s21+$0x186B0]  }
0x63: {  	[tilespmem:s19+$0x1C790] =	vst v0  }
0x64: {  	v0 =	vld.idx.msk [tilespmem:v2+s3+$0x0], $0xffff;
	_ =	sdelay $0x4  }
0x65: {  	[tilespmem:s21+$0x1C6A0] =	vst v0;
	v0 =	vld [tilespmem:s21+$0x186C0]  }
0x66: {  	v1 =	vld.idx.msk [tilespmem:v1+s3+$0x0], $0xffff;
	_ =	sdelay $0x4  }
0x67: {  	[tilespmem:s21+$0x1C6B0] =	vst v1;
	v1 =	vld [tilespmem:s21+$0x186D0];
	_ =	sdelay $0x1  }
0x68: {  	v0 =	vld.idx.msk [tilespmem:v0+s3+$0x0], $0xffff;
	_ =	sdelay $0x4  }
0x69: {  	[tilespmem:s21+$0x1C6C0] =	vst v0;
	v0 =	vld [tilespmem:s21+$0x186E0]  }
0x6a: {  	v1 =	vld.idx.msk [tilespmem:v1+s3+$0x0], $0xffff;
	_ =	sdelay $0x4  }
0x6b: {  	[tilespmem:s21+$0x1C6D0] =	vst v1;
	v1 =	vld [tilespmem:s21+$0x186F0];
	_ =	sdelay $0x1  }
0x6c: {  	v0 =	vld.idx.msk [tilespmem:v0+s3+$0x0], $0xffff;
	_ =	sdelay $0x4  }
0x6d: {  	[tilespmem:s21+$0x1C6E0] =	vst v0;
	v0 =	vld [tilespmem:s21+$0x18700]  }
0x6e: {  	v1 =	vld.idx.msk [tilespmem:v1+s3+$0x0], $0xffff;
	_ =	sdelay $0x4  }
0x6f: {  	[tilespmem:s21+$0x1C6F0] =	vst v1;
	v1 =	vld [tilespmem:s21+$0x18710];
	_ =	sdelay $0x1  }
0x70: {  	v0 =	vld.idx.msk [tilespmem:v0+s3+$0x0], $0xffff;
	_ =	sdelay $0x4  }
0x71: {  	[tilespmem:s21+$0x1C700] =	vst v0;
	v0 =	vld [tilespmem:s21+$0x18720]  }
0x72: {  	v1 =	vld.idx.msk [tilespmem:v1+s3+$0x0], $0xffff;
	_ =	sdelay $0x4  }
0x73: {  	[tilespmem:s21+$0x1C710] =	vst v1;
	v1 =	vld [tilespmem:s21+$0x18730];
	_ =	sdelay $0x1  }
0x74: {  	v0 =	vld.idx.msk [tilespmem:v0+s3+$0x0], $0xffff;
	_ =	sdelay $0x4  }
0x75: {  	[tilespmem:s21+$0x1C720] =	vst v0;
	v0 =	vld [tilespmem:s21+$0x18740]  }
0x76: {  	v1 =	vld.idx.msk [tilespmem:v1+s3+$0x0], $0xffff;
	_ =	sdelay $0x4  }
0x77: {  	[tilespmem:s21+$0x1C730] =	vst v1;
	v1 =	vld [tilespmem:s21+$0x18750];
	_ =	sdelay $0x1  }
0x78: {  	v0 =	vld.idx.msk [tilespmem:v0+s3+$0x0], $0xffff;
	_ =	sdelay $0x4  }
0x79: {  	[tilespmem:s21+$0x1C740] =	vst v0;
	v0 =	vld [tilespmem:s21+$0x18760]  }
0x7a: {  	v1 =	vld.idx.msk [tilespmem:v1+s3+$0x0], $0xffff;
	_ =	sdelay $0x4  }
0x7b: {  	[tilespmem:s21+$0x1C750] =	vst v1;
	v1 =	vld [tilespmem:s21+$0x18770];
	_ =	sdelay $0x1  }
0x7c: {  	v0 =	vld.idx.msk [tilespmem:v0+s3+$0x0], $0xffff;
	_ =	sdelay $0x4  }
0x7d: {  	[tilespmem:s21+$0x1C760] =	vst v0;
	v0 =	vld [tilespmem:s21+$0x18780]  }
0x7e: {  	v1 =	vld.idx.msk [tilespmem:v1+s3+$0x0], $0xffff;
	_ =	sdelay $0x4  }
0x7f: {  	[tilespmem:s21+$0x1C770] =	vst v1;
	v1 =	vld [tilespmem:s21+$0x18790];
	_ =	sdelay $0x1  }
0x80: {  	v0 =	vld.idx.msk [tilespmem:v0+s3+$0x0], $0xffff;
	_ =	sdelay $0x4  }
0x81: {  	[tilespmem:s21+$0x1C780] =	vst v0  }
0x82: {  	v0 =	vld.idx.msk [tilespmem:v1+s3+$0x0], $0xffff;
	_ =	sdelay $0x3  }
0x83: {  	s18 =	sshll.u32 s18, $0xB  }
0x84: {  	s20 =	simm.s32 $0x0;
	s31 =	sadd.s32 s5, s18;
	s19 =	simm.s32 $0x0;
	[tilespmem:s21+$0x1C790] =	vst v0  }
0x85: {  	[hbm4b:s31+s20] =	stream.linear.scatter [tilespmem:s12], [sflag:$0x1], $0x1000, $0x38;
	[tilespmem:$0x1E6A0] =	vst v63  }
0x86: {  	v0 =	vld [tilespmem:s19+$0x196A0];
	_ =	sdelay $0x5  }
0x87: {  	v1 =	vld [tilespmem:s19+$0x196B0];
	_ =	sdelay $0x1  }
0x88: {  	v0 =	vld.idx.msk [tilespmem:v0+s3+$0x0], $0xffff;
	_ =	sdelay $0x4  }
0x89: {  	[tilespmem:s19+$0x1D6A0] =	vst v0;
	v0 =	vld [tilespmem:s19+$0x196C0]  }
0x8a: {  	v1 =	vld.idx.msk [tilespmem:v1+s3+$0x0], $0xffff;
	_ =	sdelay $0x4  }
0x8b: {  	[tilespmem:s19+$0x1D6B0] =	vst v1;
	v1 =	vld [tilespmem:s19+$0x196D0];
	_ =	sdelay $0x1  }
0x8c: {  	v0 =	vld.idx.msk [tilespmem:v0+s3+$0x0], $0xffff;
	_ =	sdelay $0x4  }
0x8d: {  	[tilespmem:s19+$0x1D6C0] =	vst v0;
	v0 =	vld [tilespmem:s19+$0x196E0]  }
0x8e: {  	v1 =	vld.idx.msk [tilespmem:v1+s3+$0x0], $0xffff;
	_ =	sdelay $0x4  }
0x8f: {  	[tilespmem:s19+$0x1D6D0] =	vst v1;
	v1 =	vld [tilespmem:s19+$0x196F0];
	_ =	sdelay $0x1  }
0x90: {  	v0 =	vld.idx.msk [tilespmem:v0+s3+$0x0], $0xffff;
	_ =	sdelay $0x4  }
0x91: {  	[tilespmem:s19+$0x1D6E0] =	vst v0;
	v0 =	vld [tilespmem:s19+$0x19700]  }
0x92: {  	v1 =	vld.idx.msk [tilespmem:v1+s3+$0x0], $0xffff;
	_ =	sdelay $0x4  }
0x93: {  	[tilespmem:s19+$0x1D6F0] =	vst v1;
	v1 =	vld [tilespmem:s19+$0x19710];
	_ =	sdelay $0x1  }
0x94: {  	v0 =	vld.idx.msk [tilespmem:v0+s3+$0x0], $0xffff;
	_ =	sdelay $0x4  }
0x95: {  	[tilespmem:s19+$0x1D700] =	vst v0;
	v0 =	vld [tilespmem:s19+$0x19720]  }
0x96: {  	v1 =	vld.idx.msk [tilespmem:v1+s3+$0x0], $0xffff;
	_ =	sdelay $0x4  }
0x97: {  	[tilespmem:s19+$0x1D710] =	vst v1;
	v1 =	vld [tilespmem:s19+$0x19730];
	_ =	sdelay $0x1  }
0x98: {  	v0 =	vld.idx.msk [tilespmem:v0+s3+$0x0], $0xffff;
	_ =	sdelay $0x4  }
0x99: {  	[tilespmem:s19+$0x1D720] =	vst v0;
	v0 =	vld [tilespmem:s19+$0x19740]  }
0x9a: {  	v1 =	vld.idx.msk [tilespmem:v1+s3+$0x0], $0xffff;
	_ =	sdelay $0x4  }
0x9b: {  	[tilespmem:s19+$0x1D730] =	vst v1;
	v1 =	vld [tilespmem:s19+$0x19750];
	_ =	sdelay $0x1  }
0x9c: {  	v0 =	vld.idx.msk [tilespmem:v0+s3+$0x0], $0xffff;
	_ =	sdelay $0x4  }
0x9d: {  	[tilespmem:s19+$0x1D740] =	vst v0;
	v0 =	vld [tilespmem:s19+$0x19760]  }
0x9e: {  	v1 =	vld.idx.msk [tilespmem:v1+s3+$0x0], $0xffff;
	_ =	sdelay $0x4  }
0x9f: {  	[tilespmem:s19+$0x1D750] =	vst v1;
	v1 =	vld [tilespmem:s19+$0x19770];
	_ =	sdelay $0x1  }
0xa0: {  	v0 =	vld.idx.msk [tilespmem:v0+s3+$0x0], $0xffff;
	_ =	sdelay $0x4  }
0xa1: {  	v2 =	vld [tilespmem:s19+$0x19780];
	[tilespmem:s19+$0x1D760] =	vst v0  }
0xa2: {  	v0 =	vld.idx.msk [tilespmem:v1+s3+$0x0], $0xffff;
	_ =	sdelay $0x4  }
0xa3: {  	[tilespmem:s19+$0x1D770] =	vst v0;
	v0 =	vld [tilespmem:s19+$0x19790];
	_ =	sdelay $0x1  }
0xa4: {  	v1 =	vld.idx.msk [tilespmem:v2+s3+$0x0], $0xffff;
	_ =	sdelay $0x3  }
0xa5: {  	s21 =	simm.s32 $0x100;
	s20 =	simm.s32 $0x800  }
.LBB2_5:
0xa6: {  	p0 =	sne.s32 s20, $0x3C00;
	v2 =	vld [tilespmem:s21+$0x196A0];
	[tilespmem:s19+$0x1D780] =	vst v1  }
0xa7: {  	v0 =	vld.idx.msk [tilespmem:v0+s3+$0x0], $0xffff;
	_ =	sdelay $0x5  }
0xa8: {  	v1 =	vld [tilespmem:s21+$0x196B0];
	[tilespmem:s19+$0x1D790] =	vst v0;
	s19 =	smov.u32 s21  }
0xa9: {  	v0 =	vld.idx.msk [tilespmem:v2+s3+$0x0], $0xffff;
	_ =	sdelay $0x5  }
0xaa: {  	[tilespmem:s19+$0x1D6A0] =	vst v0;
	v0 =	vld [tilespmem:s19+$0x196C0]  }
0xab: {  	v1 =	vld.idx.msk [tilespmem:v1+s3+$0x0], $0xffff;
	_ =	sdelay $0x5  }
0xac: {  	[tilespmem:s19+$0x1D6B0] =	vst v1;
	v1 =	vld [tilespmem:s19+$0x196D0]  }
0xad: {  	v0 =	vld.idx.msk [tilespmem:v0+s3+$0x0], $0xffff;
	_ =	sdelay $0x5  }
0xae: {  	[tilespmem:s19+$0x1D6C0] =	vst v0;
	v0 =	vld [tilespmem:s19+$0x196E0]  }
0xaf: {  	v1 =	vld.idx.msk [tilespmem:v1+s3+$0x0], $0xffff;
	_ =	sdelay $0x5  }
0xb0: {  	[tilespmem:s19+$0x1D6D0] =	vst v1;
	v1 =	vld [tilespmem:s19+$0x196F0]  }
0xb1: {  	v0 =	vld.idx.msk [tilespmem:v0+s3+$0x0], $0xffff;
	_ =	sdelay $0x5  }
0xb2: {  	[tilespmem:s19+$0x1D6E0] =	vst v0;
	v0 =	vld [tilespmem:s19+$0x19700]  }
0xb3: {  	v1 =	vld.idx.msk [tilespmem:v1+s3+$0x0], $0xffff;
	_ =	sdelay $0x5  }
0xb4: {  	[tilespmem:s19+$0x1D6F0] =	vst v1;
	v1 =	vld [tilespmem:s19+$0x19710]  }
0xb5: {  	v0 =	vld.idx.msk [tilespmem:v0+s3+$0x0], $0xffff;
	_ =	sdelay $0x5  }
0xb6: {  	[tilespmem:s19+$0x1D700] =	vst v0;
	v0 =	vld [tilespmem:s19+$0x19720]  }
0xb7: {  	v1 =	vld.idx.msk [tilespmem:v1+s3+$0x0], $0xffff;
	_ =	sdelay $0x5  }
0xb8: {  	[tilespmem:s19+$0x1D710] =	vst v1;
	v1 =	vld [tilespmem:s19+$0x19730]  }
0xb9: {  	v0 =	vld.idx.msk [tilespmem:v0+s3+$0x0], $0xffff;
	_ =	sdelay $0x5  }
0xba: {  	[tilespmem:s19+$0x1D720] =	vst v0;
	v0 =	vld [tilespmem:s19+$0x19740]  }
0xbb: {  	v1 =	vld.idx.msk [tilespmem:v1+s3+$0x0], $0xffff;
	_ =	sdelay $0x5  }
0xbc: {  	[tilespmem:s19+$0x1D730] =	vst v1;
	v1 =	vld [tilespmem:s19+$0x19750]  }
0xbd: {  	v0 =	vld.idx.msk [tilespmem:v0+s3+$0x0], $0xffff;
	_ =	sdelay $0x5  }
0xbe: {  	[tilespmem:s19+$0x1D740] =	vst v0;
	v0 =	vld [tilespmem:s19+$0x19760]  }
0xbf: {  	v1 =	vld.idx.msk [tilespmem:v1+s3+$0x0], $0xffff;
	_ =	sdelay $0x5  }
0xc0: {  	[tilespmem:s19+$0x1D750] =	vst v1;
	v1 =	vld [tilespmem:s19+$0x19770]  }
0xc1: {  	v0 =	vld.idx.msk [tilespmem:v0+s3+$0x0], $0xffff;
	_ =	sdelay $0x5  }
0xc2: {  	[tilespmem:s19+$0x1D760] =	vst v0;
	v2 =	vld [tilespmem:s19+$0x19780]  }
0xc3: {  	v0 =	vld.idx.msk [tilespmem:v1+s3+$0x0], $0xffff;
	_ =	sdelay $0x5  }
0xc4: {  	[tilespmem:s19+$0x1D770] =	vst v0;
	v0 =	vld [tilespmem:s19+$0x19790]  }
0xc5: {  	v1 =	vld.idx.msk [tilespmem:v2+s3+$0x0], $0xffff  }
.Ltmp1:
0xc6: {  	(pc) =	sbr.rel @p0 .LBB2_5-.Ltmp1, $2  }
0xc7: {  	_ =	sdelay $0x2  }
0xc8: {  	s21 =	sshra.s32 s20, $0x2;
	s20 =	sadd.s32 $0x400, s20  }
0xc9: {  	_ =	sdelay $0x1  }
0xca: {  	v2 =	vld [tilespmem:s21+$0x196A0]  }
0xcb: {  	[tilespmem:s19+$0x1D780] =	vst v1  }
0xcc: {  	v0 =	vld.idx.msk [tilespmem:v0+s3+$0x0], $0xffff;
	_ =	sdelay $0x3  }
0xcd: {  	v1 =	vld [tilespmem:s21+$0x196B0]  }
0xce: {  	[tilespmem:s19+$0x1D790] =	vst v0  }
0xcf: {  	v0 =	vld.idx.msk [tilespmem:v2+s3+$0x0], $0xffff;
	_ =	sdelay $0x4  }
0xd0: {  	[tilespmem:s21+$0x1D6A0] =	vst v0;
	v0 =	vld [tilespmem:s21+$0x196C0]  }
0xd1: {  	v1 =	vld.idx.msk [tilespmem:v1+s3+$0x0], $0xffff;
	_ =	sdelay $0x4  }
0xd2: {  	[tilespmem:s21+$0x1D6B0] =	vst v1;
	v1 =	vld [tilespmem:s21+$0x196D0];
	_ =	sdelay $0x1  }
0xd3: {  	v0 =	vld.idx.msk [tilespmem:v0+s3+$0x0], $0xffff;
	_ =	sdelay $0x4  }
0xd4: {  	[tilespmem:s21+$0x1D6C0] =	vst v0;
	v0 =	vld [tilespmem:s21+$0x196E0]  }
0xd5: {  	v1 =	vld.idx.msk [tilespmem:v1+s3+$0x0], $0xffff;
	_ =	sdelay $0x4  }
0xd6: {  	[tilespmem:s21+$0x1D6D0] =	vst v1;
	v1 =	vld [tilespmem:s21+$0x196F0];
	_ =	sdelay $0x1  }
0xd7: {  	v0 =	vld.idx.msk [tilespmem:v0+s3+$0x0], $0xffff;
	_ =	sdelay $0x4  }
0xd8: {  	[tilespmem:s21+$0x1D6E0] =	vst v0;
	v0 =	vld [tilespmem:s21+$0x19700]  }
0xd9: {  	v1 =	vld.idx.msk [tilespmem:v1+s3+$0x0], $0xffff;
	_ =	sdelay $0x4  }
0xda: {  	[tilespmem:s21+$0x1D6F0] =	vst v1;
	v1 =	vld [tilespmem:s21+$0x19710];
	_ =	sdelay $0x1  }
0xdb: {  	v0 =	vld.idx.msk [tilespmem:v0+s3+$0x0], $0xffff;
	_ =	sdelay $0x4  }
0xdc: {  	[tilespmem:s21+$0x1D700] =	vst v0;
	v0 =	vld [tilespmem:s21+$0x19720]  }
0xdd: {  	v1 =	vld.idx.msk [tilespmem:v1+s3+$0x0], $0xffff;
	_ =	sdelay $0x4  }
0xde: {  	[tilespmem:s21+$0x1D710] =	vst v1;
	v1 =	vld [tilespmem:s21+$0x19730];
	_ =	sdelay $0x1  }
0xdf: {  	v0 =	vld.idx.msk [tilespmem:v0+s3+$0x0], $0xffff;
	_ =	sdelay $0x4  }
0xe0: {  	[tilespmem:s21+$0x1D720] =	vst v0;
	v0 =	vld [tilespmem:s21+$0x19740]  }
0xe1: {  	v1 =	vld.idx.msk [tilespmem:v1+s3+$0x0], $0xffff;
	_ =	sdelay $0x4  }
0xe2: {  	[tilespmem:s21+$0x1D730] =	vst v1;
	v1 =	vld [tilespmem:s21+$0x19750];
	_ =	sdelay $0x1  }
0xe3: {  	v0 =	vld.idx.msk [tilespmem:v0+s3+$0x0], $0xffff;
	_ =	sdelay $0x4  }
0xe4: {  	[tilespmem:s21+$0x1D740] =	vst v0;
	v0 =	vld [tilespmem:s21+$0x19760]  }
0xe5: {  	v1 =	vld.idx.msk [tilespmem:v1+s3+$0x0], $0xffff;
	_ =	sdelay $0x4  }
0xe6: {  	[tilespmem:s21+$0x1D750] =	vst v1;
	v1 =	vld [tilespmem:s21+$0x19770];
	_ =	sdelay $0x1  }
0xe7: {  	v0 =	vld.idx.msk [tilespmem:v0+s3+$0x0], $0xffff;
	_ =	sdelay $0x4  }
0xe8: {  	[tilespmem:s21+$0x1D760] =	vst v0;
	v0 =	vld [tilespmem:s21+$0x19780]  }
0xe9: {  	v1 =	vld.idx.msk [tilespmem:v1+s3+$0x0], $0xffff;
	_ =	sdelay $0x4  }
0xea: {  	[tilespmem:s21+$0x1D770] =	vst v1;
	v1 =	vld [tilespmem:s21+$0x19790];
	_ =	sdelay $0x1  }
0xeb: {  	v0 =	vld.idx.msk [tilespmem:v0+s3+$0x0], $0xffff;
	_ =	sdelay $0x4  }
0xec: {  	[tilespmem:s21+$0x1D780] =	vst v0  }
0xed: {  	v0 =	vld.idx.msk [tilespmem:v1+s3+$0x0], $0xffff;
	_ =	sdelay $0x4  }
0xee: {  	s31 =	sadd.s32 s18, s7;
	s20 =	simm.s32 $0x0;
	s19 =	simm.s32 $0x0;
	[tilespmem:s21+$0x1D790] =	vst v0  }
0xef: {  	[hbm4b:s31+s20] =	stream.linear.scatter [tilespmem:s13], [sflag:$0x1], $0x1000, $0x38;
	[tilespmem:$0x1E6A0] =	vst v63  }
0xf0: {  	v0 =	vld [tilespmem:s19+$0x1A6A0];
	_ =	sdelay $0x5  }
0xf1: {  	v1 =	vld [tilespmem:s19+$0x1A6B0];
	_ =	sdelay $0x1  }
0xf2: {  	v0 =	vld.idx.msk [tilespmem:v0+s3+$0x0], $0xffff;
	_ =	sdelay $0x4  }
0xf3: {  	[tilespmem:s19+$0x1C6A0] =	vst v0;
	v0 =	vld [tilespmem:s19+$0x1A6C0]  }
0xf4: {  	v1 =	vld.idx.msk [tilespmem:v1+s3+$0x0], $0xffff;
	_ =	sdelay $0x4  }
0xf5: {  	[tilespmem:s19+$0x1C6B0] =	vst v1;
	v1 =	vld [tilespmem:s19+$0x1A6D0];
	_ =	sdelay $0x1  }
0xf6: {  	v0 =	vld.idx.msk [tilespmem:v0+s3+$0x0], $0xffff;
	_ =	sdelay $0x4  }
0xf7: {  	[tilespmem:s19+$0x1C6C0] =	vst v0;
	v0 =	vld [tilespmem:s19+$0x1A6E0]  }
0xf8: {  	v1 =	vld.idx.msk [tilespmem:v1+s3+$0x0], $0xffff;
	_ =	sdelay $0x4  }
0xf9: {  	[tilespmem:s19+$0x1C6D0] =	vst v1;
	v1 =	vld [tilespmem:s19+$0x1A6F0];
	_ =	sdelay $0x1  }
0xfa: {  	v0 =	vld.idx.msk [tilespmem:v0+s3+$0x0], $0xffff;
	_ =	sdelay $0x4  }
0xfb: {  	[tilespmem:s19+$0x1C6E0] =	vst v0;
	v0 =	vld [tilespmem:s19+$0x1A700]  }
0xfc: {  	v1 =	vld.idx.msk [tilespmem:v1+s3+$0x0], $0xffff;
	_ =	sdelay $0x4  }
0xfd: {  	[tilespmem:s19+$0x1C6F0] =	vst v1;
	v1 =	vld [tilespmem:s19+$0x1A710];
	_ =	sdelay $0x1  }
0xfe: {  	v0 =	vld.idx.msk [tilespmem:v0+s3+$0x0], $0xffff;
	_ =	sdelay $0x4  }
0xff: {  	[tilespmem:s19+$0x1C700] =	vst v0;
	v0 =	vld [tilespmem:s19+$0x1A720]  }
0x100: {  	v1 =	vld.idx.msk [tilespmem:v1+s3+$0x0], $0xffff;
	_ =	sdelay $0x4  }
0x101: {  	[tilespmem:s19+$0x1C710] =	vst v1;
	v1 =	vld [tilespmem:s19+$0x1A730];
	_ =	sdelay $0x1  }
0x102: {  	v0 =	vld.idx.msk [tilespmem:v0+s3+$0x0], $0xffff;
	_ =	sdelay $0x4  }
0x103: {  	[tilespmem:s19+$0x1C720] =	vst v0;
	v0 =	vld [tilespmem:s19+$0x1A740]  }
0x104: {  	v1 =	vld.idx.msk [tilespmem:v1+s3+$0x0], $0xffff;
	_ =	sdelay $0x4  }
0x105: {  	[tilespmem:s19+$0x1C730] =	vst v1;
	v1 =	vld [tilespmem:s19+$0x1A750];
	_ =	sdelay $0x1  }
0x106: {  	v0 =	vld.idx.msk [tilespmem:v0+s3+$0x0], $0xffff;
	_ =	sdelay $0x4  }
0x107: {  	[tilespmem:s19+$0x1C740] =	vst v0;
	v0 =	vld [tilespmem:s19+$0x1A760]  }
0x108: {  	v1 =	vld.idx.msk [tilespmem:v1+s3+$0x0], $0xffff;
	_ =	sdelay $0x4  }
0x109: {  	[tilespmem:s19+$0x1C750] =	vst v1;
	v1 =	vld [tilespmem:s19+$0x1A770];
	_ =	sdelay $0x1  }
0x10a: {  	v0 =	vld.idx.msk [tilespmem:v0+s3+$0x0], $0xffff;
	_ =	sdelay $0x4  }
0x10b: {  	v2 =	vld [tilespmem:s19+$0x1A780];
	[tilespmem:s19+$0x1C760] =	vst v0  }
0x10c: {  	v0 =	vld.idx.msk [tilespmem:v1+s3+$0x0], $0xffff;
	_ =	sdelay $0x4  }
0x10d: {  	[tilespmem:s19+$0x1C770] =	vst v0;
	v0 =	vld [tilespmem:s19+$0x1A790];
	_ =	sdelay $0x1  }
0x10e: {  	v1 =	vld.idx.msk [tilespmem:v2+s3+$0x0], $0xffff;
	_ =	sdelay $0x3  }
0x10f: {  	s21 =	simm.s32 $0x100;
	s20 =	simm.s32 $0x800  }
.LBB2_7:
0x110: {  	p0 =	sne.s32 s20, $0x3C00;
	v2 =	vld [tilespmem:s21+$0x1A6A0];
	[tilespmem:s19+$0x1C780] =	vst v1  }
0x111: {  	v0 =	vld.idx.msk [tilespmem:v0+s3+$0x0], $0xffff;
	_ =	sdelay $0x5  }
0x112: {  	v1 =	vld [tilespmem:s21+$0x1A6B0];
	[tilespmem:s19+$0x1C790] =	vst v0;
	s19 =	smov.u32 s21  }
0x113: {  	v0 =	vld.idx.msk [tilespmem:v2+s3+$0x0], $0xffff;
	_ =	sdelay $0x5  }
0x114: {  	[tilespmem:s19+$0x1C6A0] =	vst v0;
	v0 =	vld [tilespmem:s19+$0x1A6C0]  }
0x115: {  	v1 =	vld.idx.msk [tilespmem:v1+s3+$0x0], $0xffff;
	_ =	sdelay $0x5  }
0x116: {  	[tilespmem:s19+$0x1C6B0] =	vst v1;
	v1 =	vld [tilespmem:s19+$0x1A6D0]  }
0x117: {  	v0 =	vld.idx.msk [tilespmem:v0+s3+$0x0], $0xffff;
	_ =	sdelay $0x5  }
0x118: {  	[tilespmem:s19+$0x1C6C0] =	vst v0;
	v0 =	vld [tilespmem:s19+$0x1A6E0]  }
0x119: {  	v1 =	vld.idx.msk [tilespmem:v1+s3+$0x0], $0xffff;
	_ =	sdelay $0x5  }
0x11a: {  	[tilespmem:s19+$0x1C6D0] =	vst v1;
	v1 =	vld [tilespmem:s19+$0x1A6F0]  }
0x11b: {  	v0 =	vld.idx.msk [tilespmem:v0+s3+$0x0], $0xffff;
	_ =	sdelay $0x5  }
0x11c: {  	[tilespmem:s19+$0x1C6E0] =	vst v0;
	v0 =	vld [tilespmem:s19+$0x1A700]  }
0x11d: {  	v1 =	vld.idx.msk [tilespmem:v1+s3+$0x0], $0xffff;
	_ =	sdelay $0x5  }
0x11e: {  	[tilespmem:s19+$0x1C6F0] =	vst v1;
	v1 =	vld [tilespmem:s19+$0x1A710]  }
0x11f: {  	v0 =	vld.idx.msk [tilespmem:v0+s3+$0x0], $0xffff;
	_ =	sdelay $0x5  }
0x120: {  	[tilespmem:s19+$0x1C700] =	vst v0;
	v0 =	vld [tilespmem:s19+$0x1A720]  }
0x121: {  	v1 =	vld.idx.msk [tilespmem:v1+s3+$0x0], $0xffff;
	_ =	sdelay $0x5  }
0x122: {  	[tilespmem:s19+$0x1C710] =	vst v1;
	v1 =	vld [tilespmem:s19+$0x1A730]  }
0x123: {  	v0 =	vld.idx.msk [tilespmem:v0+s3+$0x0], $0xffff;
	_ =	sdelay $0x5  }
0x124: {  	[tilespmem:s19+$0x1C720] =	vst v0;
	v0 =	vld [tilespmem:s19+$0x1A740]  }
0x125: {  	v1 =	vld.idx.msk [tilespmem:v1+s3+$0x0], $0xffff;
	_ =	sdelay $0x5  }
0x126: {  	[tilespmem:s19+$0x1C730] =	vst v1;
	v1 =	vld [tilespmem:s19+$0x1A750]  }
0x127: {  	v0 =	vld.idx.msk [tilespmem:v0+s3+$0x0], $0xffff;
	_ =	sdelay $0x5  }
0x128: {  	[tilespmem:s19+$0x1C740] =	vst v0;
	v0 =	vld [tilespmem:s19+$0x1A760]  }
0x129: {  	v1 =	vld.idx.msk [tilespmem:v1+s3+$0x0], $0xffff;
	_ =	sdelay $0x5  }
0x12a: {  	[tilespmem:s19+$0x1C750] =	vst v1;
	v1 =	vld [tilespmem:s19+$0x1A770]  }
0x12b: {  	v0 =	vld.idx.msk [tilespmem:v0+s3+$0x0], $0xffff;
	_ =	sdelay $0x5  }
0x12c: {  	[tilespmem:s19+$0x1C760] =	vst v0;
	v2 =	vld [tilespmem:s19+$0x1A780]  }
0x12d: {  	v0 =	vld.idx.msk [tilespmem:v1+s3+$0x0], $0xffff;
	_ =	sdelay $0x5  }
0x12e: {  	[tilespmem:s19+$0x1C770] =	vst v0;
	v0 =	vld [tilespmem:s19+$0x1A790]  }
0x12f: {  	v1 =	vld.idx.msk [tilespmem:v2+s3+$0x0], $0xffff  }
.Ltmp2:
0x130: {  	(pc) =	sbr.rel @p0 .LBB2_7-.Ltmp2, $2  }
0x131: {  	_ =	sdelay $0x2  }
0x132: {  	s21 =	sshra.s32 s20, $0x2;
	s20 =	sadd.s32 $0x400, s20  }
0x133: {  	_ =	sdelay $0x1  }
0x134: {  	v2 =	vld [tilespmem:s21+$0x1A6A0]  }
0x135: {  	[tilespmem:s19+$0x1C780] =	vst v1  }
0x136: {  	v0 =	vld.idx.msk [tilespmem:v0+s3+$0x0], $0xffff;
	_ =	sdelay $0x3  }
0x137: {  	v1 =	vld [tilespmem:s21+$0x1A6B0]  }
0x138: {  	[tilespmem:s19+$0x1C790] =	vst v0  }
0x139: {  	v0 =	vld.idx.msk [tilespmem:v2+s3+$0x0], $0xffff;
	_ =	sdelay $0x4  }
0x13a: {  	[tilespmem:s21+$0x1C6A0] =	vst v0;
	v0 =	vld [tilespmem:s21+$0x1A6C0]  }
0x13b: {  	v1 =	vld.idx.msk [tilespmem:v1+s3+$0x0], $0xffff;
	_ =	sdelay $0x4  }
0x13c: {  	[tilespmem:s21+$0x1C6B0] =	vst v1;
	v1 =	vld [tilespmem:s21+$0x1A6D0];
	_ =	sdelay $0x1  }
0x13d: {  	v0 =	vld.idx.msk [tilespmem:v0+s3+$0x0], $0xffff;
	_ =	sdelay $0x4  }
0x13e: {  	[tilespmem:s21+$0x1C6C0] =	vst v0;
	v0 =	vld [tilespmem:s21+$0x1A6E0]  }
0x13f: {  	v1 =	vld.idx.msk [tilespmem:v1+s3+$0x0], $0xffff;
	_ =	sdelay $0x4  }
0x140: {  	[tilespmem:s21+$0x1C6D0] =	vst v1;
	v1 =	vld [tilespmem:s21+$0x1A6F0];
	_ =	sdelay $0x1  }
0x141: {  	v0 =	vld.idx.msk [tilespmem:v0+s3+$0x0], $0xffff;
	_ =	sdelay $0x4  }
0x142: {  	[tilespmem:s21+$0x1C6E0] =	vst v0;
	v0 =	vld [tilespmem:s21+$0x1A700]  }
0x143: {  	v1 =	vld.idx.msk [tilespmem:v1+s3+$0x0], $0xffff;
	_ =	sdelay $0x4  }
0x144: {  	[tilespmem:s21+$0x1C6F0] =	vst v1;
	v1 =	vld [tilespmem:s21+$0x1A710];
	_ =	sdelay $0x1  }
0x145: {  	v0 =	vld.idx.msk [tilespmem:v0+s3+$0x0], $0xffff;
	_ =	sdelay $0x4  }
0x146: {  	[tilespmem:s21+$0x1C700] =	vst v0;
	v0 =	vld [tilespmem:s21+$0x1A720]  }
0x147: {  	v1 =	vld.idx.msk [tilespmem:v1+s3+$0x0], $0xffff;
	_ =	sdelay $0x4  }
0x148: {  	[tilespmem:s21+$0x1C710] =	vst v1;
	v1 =	vld [tilespmem:s21+$0x1A730];
	_ =	sdelay $0x1  }
0x149: {  	v0 =	vld.idx.msk [tilespmem:v0+s3+$0x0], $0xffff;
	_ =	sdelay $0x4  }
0x14a: {  	[tilespmem:s21+$0x1C720] =	vst v0;
	v0 =	vld [tilespmem:s21+$0x1A740]  }
0x14b: {  	v1 =	vld.idx.msk [tilespmem:v1+s3+$0x0], $0xffff;
	_ =	sdelay $0x4  }
0x14c: {  	[tilespmem:s21+$0x1C730] =	vst v1;
	v1 =	vld [tilespmem:s21+$0x1A750];
	_ =	sdelay $0x1  }
0x14d: {  	v0 =	vld.idx.msk [tilespmem:v0+s3+$0x0], $0xffff;
	_ =	sdelay $0x4  }
0x14e: {  	[tilespmem:s21+$0x1C740] =	vst v0;
	v0 =	vld [tilespmem:s21+$0x1A760]  }
0x14f: {  	v1 =	vld.idx.msk [tilespmem:v1+s3+$0x0], $0xffff;
	_ =	sdelay $0x4  }
0x150: {  	[tilespmem:s21+$0x1C750] =	vst v1;
	v1 =	vld [tilespmem:s21+$0x1A770];
	_ =	sdelay $0x1  }
0x151: {  	v0 =	vld.idx.msk [tilespmem:v0+s3+$0x0], $0xffff;
	_ =	sdelay $0x4  }
0x152: {  	[tilespmem:s21+$0x1C760] =	vst v0;
	v0 =	vld [tilespmem:s21+$0x1A780]  }
0x153: {  	v1 =	vld.idx.msk [tilespmem:v1+s3+$0x0], $0xffff;
	_ =	sdelay $0x4  }
0x154: {  	[tilespmem:s21+$0x1C770] =	vst v1;
	v1 =	vld [tilespmem:s21+$0x1A790];
	_ =	sdelay $0x1  }
0x155: {  	v0 =	vld.idx.msk [tilespmem:v0+s3+$0x0], $0xffff;
	_ =	sdelay $0x4  }
0x156: {  	[tilespmem:s21+$0x1C780] =	vst v0  }
0x157: {  	v0 =	vld.idx.msk [tilespmem:v1+s3+$0x0], $0xffff;
	_ =	sdelay $0x4  }
0x158: {  	[tilespmem:s21+$0x1C790] =	vst v0  }
0x159: {  	_ =	swait.ge [sflag:s14], $0x1000  }
0x15a: {  	s31 =	sadd.s32 s18, s8;
	[sflag:s14] =	ssyncset.done $0x0  }
0x15b: {  	s20 =	simm.s32 $0x0;
	s19 =	simm.s32 $0x0;
	[sflag:s14] =	ssyncadd.s32 $0xFFFFF000  }
0x15c: {  	[hbm4b:s31+s20] =	stream.linear.scatter [tilespmem:s12], [sflag:$0x1], $0x1000, $0x38;
	[tilespmem:$0x1E6A0] =	vst v63  }
0x15d: {  	v0 =	vld [tilespmem:s19+$0x1B6A0];
	_ =	sdelay $0x5  }
0x15e: {  	v1 =	vld [tilespmem:s19+$0x1B6B0];
	_ =	sdelay $0x1  }
0x15f: {  	v0 =	vld.idx.msk [tilespmem:v0+s3+$0x0], $0xffff;
	_ =	sdelay $0x4  }
0x160: {  	[tilespmem:s19+$0x1D6A0] =	vst v0;
	v0 =	vld [tilespmem:s19+$0x1B6C0]  }
0x161: {  	v1 =	vld.idx.msk [tilespmem:v1+s3+$0x0], $0xffff;
	_ =	sdelay $0x4  }
0x162: {  	[tilespmem:s19+$0x1D6B0] =	vst v1;
	v1 =	vld [tilespmem:s19+$0x1B6D0];
	_ =	sdelay $0x1  }
0x163: {  	v0 =	vld.idx.msk [tilespmem:v0+s3+$0x0], $0xffff;
	_ =	sdelay $0x4  }
0x164: {  	[tilespmem:s19+$0x1D6C0] =	vst v0;
	v0 =	vld [tilespmem:s19+$0x1B6E0]  }
0x165: {  	v1 =	vld.idx.msk [tilespmem:v1+s3+$0x0], $0xffff;
	_ =	sdelay $0x4  }
0x166: {  	[tilespmem:s19+$0x1D6D0] =	vst v1;
	v1 =	vld [tilespmem:s19+$0x1B6F0];
	_ =	sdelay $0x1  }
0x167: {  	v0 =	vld.idx.msk [tilespmem:v0+s3+$0x0], $0xffff;
	_ =	sdelay $0x4  }
0x168: {  	[tilespmem:s19+$0x1D6E0] =	vst v0;
	v0 =	vld [tilespmem:s19+$0x1B700]  }
0x169: {  	v1 =	vld.idx.msk [tilespmem:v1+s3+$0x0], $0xffff;
	_ =	sdelay $0x4  }
0x16a: {  	[tilespmem:s19+$0x1D6F0] =	vst v1;
	v1 =	vld [tilespmem:s19+$0x1B710];
	_ =	sdelay $0x1  }
0x16b: {  	v0 =	vld.idx.msk [tilespmem:v0+s3+$0x0], $0xffff;
	_ =	sdelay $0x4  }
0x16c: {  	[tilespmem:s19+$0x1D700] =	vst v0;
	v0 =	vld [tilespmem:s19+$0x1B720]  }
0x16d: {  	v1 =	vld.idx.msk [tilespmem:v1+s3+$0x0], $0xffff;
	_ =	sdelay $0x4  }
0x16e: {  	[tilespmem:s19+$0x1D710] =	vst v1;
	v1 =	vld [tilespmem:s19+$0x1B730];
	_ =	sdelay $0x1  }
0x16f: {  	v0 =	vld.idx.msk [tilespmem:v0+s3+$0x0], $0xffff;
	_ =	sdelay $0x4  }
0x170: {  	[tilespmem:s19+$0x1D720] =	vst v0;
	v0 =	vld [tilespmem:s19+$0x1B740]  }
0x171: {  	v1 =	vld.idx.msk [tilespmem:v1+s3+$0x0], $0xffff;
	_ =	sdelay $0x4  }
0x172: {  	[tilespmem:s19+$0x1D730] =	vst v1;
	v1 =	vld [tilespmem:s19+$0x1B750];
	_ =	sdelay $0x1  }
0x173: {  	v0 =	vld.idx.msk [tilespmem:v0+s3+$0x0], $0xffff;
	_ =	sdelay $0x4  }
0x174: {  	[tilespmem:s19+$0x1D740] =	vst v0;
	v0 =	vld [tilespmem:s19+$0x1B760]  }
0x175: {  	v1 =	vld.idx.msk [tilespmem:v1+s3+$0x0], $0xffff;
	_ =	sdelay $0x4  }
0x176: {  	[tilespmem:s19+$0x1D750] =	vst v1;
	v1 =	vld [tilespmem:s19+$0x1B770];
	_ =	sdelay $0x1  }
0x177: {  	v0 =	vld.idx.msk [tilespmem:v0+s3+$0x0], $0xffff;
	_ =	sdelay $0x4  }
0x178: {  	v2 =	vld [tilespmem:s19+$0x1B780];
	[tilespmem:s19+$0x1D760] =	vst v0  }
0x179: {  	v0 =	vld.idx.msk [tilespmem:v1+s3+$0x0], $0xffff;
	_ =	sdelay $0x4  }
0x17a: {  	[tilespmem:s19+$0x1D770] =	vst v0;
	v0 =	vld [tilespmem:s19+$0x1B790];
	_ =	sdelay $0x1  }
0x17b: {  	v1 =	vld.idx.msk [tilespmem:v2+s3+$0x0], $0xffff;
	_ =	sdelay $0x3  }
0x17c: {  	s21 =	simm.s32 $0x100;
	s20 =	simm.s32 $0x800  }
.LBB2_9:
0x17d: {  	p0 =	sne.s32 s20, $0x3C00;
	v2 =	vld [tilespmem:s21+$0x1B6A0];
	[tilespmem:s19+$0x1D780] =	vst v1  }
0x17e: {  	v0 =	vld.idx.msk [tilespmem:v0+s3+$0x0], $0xffff;
	_ =	sdelay $0x5  }
0x17f: {  	v1 =	vld [tilespmem:s21+$0x1B6B0];
	[tilespmem:s19+$0x1D790] =	vst v0;
	s19 =	smov.u32 s21  }
0x180: {  	v0 =	vld.idx.msk [tilespmem:v2+s3+$0x0], $0xffff;
	_ =	sdelay $0x5  }
0x181: {  	[tilespmem:s19+$0x1D6A0] =	vst v0;
	v0 =	vld [tilespmem:s19+$0x1B6C0]  }
0x182: {  	v1 =	vld.idx.msk [tilespmem:v1+s3+$0x0], $0xffff;
	_ =	sdelay $0x5  }
0x183: {  	[tilespmem:s19+$0x1D6B0] =	vst v1;
	v1 =	vld [tilespmem:s19+$0x1B6D0]  }
0x184: {  	v0 =	vld.idx.msk [tilespmem:v0+s3+$0x0], $0xffff;
	_ =	sdelay $0x5  }
0x185: {  	[tilespmem:s19+$0x1D6C0] =	vst v0;
	v0 =	vld [tilespmem:s19+$0x1B6E0]  }
0x186: {  	v1 =	vld.idx.msk [tilespmem:v1+s3+$0x0], $0xffff;
	_ =	sdelay $0x5  }
0x187: {  	[tilespmem:s19+$0x1D6D0] =	vst v1;
	v1 =	vld [tilespmem:s19+$0x1B6F0]  }
0x188: {  	v0 =	vld.idx.msk [tilespmem:v0+s3+$0x0], $0xffff;
	_ =	sdelay $0x5  }
0x189: {  	[tilespmem:s19+$0x1D6E0] =	vst v0;
	v0 =	vld [tilespmem:s19+$0x1B700]  }
0x18a: {  	v1 =	vld.idx.msk [tilespmem:v1+s3+$0x0], $0xffff;
	_ =	sdelay $0x5  }
0x18b: {  	[tilespmem:s19+$0x1D6F0] =	vst v1;
	v1 =	vld [tilespmem:s19+$0x1B710]  }
0x18c: {  	v0 =	vld.idx.msk [tilespmem:v0+s3+$0x0], $0xffff;
	_ =	sdelay $0x5  }
0x18d: {  	[tilespmem:s19+$0x1D700] =	vst v0;
	v0 =	vld [tilespmem:s19+$0x1B720]  }
0x18e: {  	v1 =	vld.idx.msk [tilespmem:v1+s3+$0x0], $0xffff;
	_ =	sdelay $0x5  }
0x18f: {  	[tilespmem:s19+$0x1D710] =	vst v1;
	v1 =	vld [tilespmem:s19+$0x1B730]  }
0x190: {  	v0 =	vld.idx.msk [tilespmem:v0+s3+$0x0], $0xffff;
	_ =	sdelay $0x5  }
0x191: {  	[tilespmem:s19+$0x1D720] =	vst v0;
	v0 =	vld [tilespmem:s19+$0x1B740]  }
0x192: {  	v1 =	vld.idx.msk [tilespmem:v1+s3+$0x0], $0xffff;
	_ =	sdelay $0x5  }
0x193: {  	[tilespmem:s19+$0x1D730] =	vst v1;
	v1 =	vld [tilespmem:s19+$0x1B750]  }
0x194: {  	v0 =	vld.idx.msk [tilespmem:v0+s3+$0x0], $0xffff;
	_ =	sdelay $0x5  }
0x195: {  	[tilespmem:s19+$0x1D740] =	vst v0;
	v0 =	vld [tilespmem:s19+$0x1B760]  }
0x196: {  	v1 =	vld.idx.msk [tilespmem:v1+s3+$0x0], $0xffff;
	_ =	sdelay $0x5  }
0x197: {  	[tilespmem:s19+$0x1D750] =	vst v1;
	v1 =	vld [tilespmem:s19+$0x1B770]  }
0x198: {  	v0 =	vld.idx.msk [tilespmem:v0+s3+$0x0], $0xffff;
	_ =	sdelay $0x5  }
0x199: {  	[tilespmem:s19+$0x1D760] =	vst v0;
	v2 =	vld [tilespmem:s19+$0x1B780]  }
0x19a: {  	v0 =	vld.idx.msk [tilespmem:v1+s3+$0x0], $0xffff;
	_ =	sdelay $0x5  }
0x19b: {  	[tilespmem:s19+$0x1D770] =	vst v0;
	v0 =	vld [tilespmem:s19+$0x1B790]  }
0x19c: {  	v1 =	vld.idx.msk [tilespmem:v2+s3+$0x0], $0xffff  }
.Ltmp3:
0x19d: {  	(pc) =	sbr.rel @p0 .LBB2_9-.Ltmp3, $2  }
0x19e: {  	_ =	sdelay $0x2  }
0x19f: {  	s21 =	sshra.s32 s20, $0x2;
	s20 =	sadd.s32 $0x400, s20  }
0x1a0: {  	_ =	sdelay $0x1  }
0x1a1: {  	v2 =	vld [tilespmem:s21+$0x1B6A0]  }
0x1a2: {  	[tilespmem:s19+$0x1D780] =	vst v1  }
0x1a3: {  	v0 =	vld.idx.msk [tilespmem:v0+s3+$0x0], $0xffff;
	_ =	sdelay $0x3  }
0x1a4: {  	v1 =	vld [tilespmem:s21+$0x1B6B0]  }
0x1a5: {  	[tilespmem:s19+$0x1D790] =	vst v0  }
0x1a6: {  	v0 =	vld.idx.msk [tilespmem:v2+s3+$0x0], $0xffff;
	_ =	sdelay $0x3  }
0x1a7: {  	v50 =	vld [tilespmem:s21+$0x1B6C0]  }
0x1a8: {  	[tilespmem:s21+$0x1D6A0] =	vst v0  }
0x1a9: {  	v1 =	vld.idx.msk [tilespmem:v1+s3+$0x0], $0xffff;
	_ =	sdelay $0x3  }
0x1aa: {  	v51 =	vld [tilespmem:s21+$0x1B6D0]  }
0x1ab: {  	[tilespmem:s21+$0x1D6B0] =	vst v1  }
0x1ac: {  	v0 =	vld.idx.msk [tilespmem:v50+s3+$0x0], $0xffff;
	_ =	sdelay $0x3  }
0x1ad: {  	v52 =	vld [tilespmem:s21+$0x1B6E0]  }
0x1ae: {  	[tilespmem:s21+$0x1D6C0] =	vst v0  }
0x1af: {  	v1 =	vld.idx.msk [tilespmem:v51+s3+$0x0], $0xffff;
	_ =	sdelay $0x3  }
0x1b0: {  	v53 =	vld [tilespmem:s21+$0x1B6F0]  }
0x1b1: {  	[tilespmem:s21+$0x1D6D0] =	vst v1  }
0x1b2: {  	v0 =	vld.idx.msk [tilespmem:v52+s3+$0x0], $0xffff;
	_ =	sdelay $0x3  }
0x1b3: {  	v54 =	vld [tilespmem:s21+$0x1B700]  }
0x1b4: {  	[tilespmem:s21+$0x1D6E0] =	vst v0  }
0x1b5: {  	v1 =	vld.idx.msk [tilespmem:v53+s3+$0x0], $0xffff;
	_ =	sdelay $0x3  }
0x1b6: {  	v55 =	vld [tilespmem:s21+$0x1B710]  }
0x1b7: {  	[tilespmem:s21+$0x1D6F0] =	vst v1  }
0x1b8: {  	v0 =	vld.idx.msk [tilespmem:v54+s3+$0x0], $0xffff;
	_ =	sdelay $0x3  }
0x1b9: {  	v56 =	vld [tilespmem:s21+$0x1B720]  }
0x1ba: {  	[tilespmem:s21+$0x1D700] =	vst v0  }
0x1bb: {  	v1 =	vld.idx.msk [tilespmem:v55+s3+$0x0], $0xffff;
	_ =	sdelay $0x3  }
0x1bc: {  	v57 =	vld [tilespmem:s21+$0x1B730]  }
0x1bd: {  	[tilespmem:s21+$0x1D710] =	vst v1  }
0x1be: {  	v0 =	vld.idx.msk [tilespmem:v56+s3+$0x0], $0xffff;
	_ =	sdelay $0x3  }
0x1bf: {  	v58 =	vld [tilespmem:s21+$0x1B740]  }
0x1c0: {  	[tilespmem:s21+$0x1D720] =	vst v0  }
0x1c1: {  	v1 =	vld.idx.msk [tilespmem:v57+s3+$0x0], $0xffff;
	_ =	sdelay $0x3  }
0x1c2: {  	v59 =	vld [tilespmem:s21+$0x1B750]  }
0x1c3: {  	[tilespmem:s21+$0x1D730] =	vst v1  }
0x1c4: {  	v0 =	vld.idx.msk [tilespmem:v58+s3+$0x0], $0xffff;
	_ =	sdelay $0x3  }
0x1c5: {  	v60 =	vld [tilespmem:s21+$0x1B760]  }
0x1c6: {  	[tilespmem:s21+$0x1D740] =	vst v0  }
0x1c7: {  	v1 =	vld.idx.msk [tilespmem:v59+s3+$0x0], $0xffff;
	_ =	sdelay $0x3  }
0x1c8: {  	v61 =	vld [tilespmem:s21+$0x1B770]  }
0x1c9: {  	[tilespmem:s21+$0x1D750] =	vst v1  }
0x1ca: {  	v0 =	vld.idx.msk [tilespmem:v60+s3+$0x0], $0xffff;
	_ =	sdelay $0x3  }
0x1cb: {  	v62 =	vld [tilespmem:s21+$0x1B780]  }
0x1cc: {  	[tilespmem:s21+$0x1D760] =	vst v0  }
0x1cd: {  	v1 =	vld.idx.msk [tilespmem:v61+s3+$0x0], $0xffff;
	_ =	sdelay $0x3  }
0x1ce: {  	v63 =	vld [tilespmem:s21+$0x1B790]  }
0x1cf: {  	[tilespmem:s21+$0x1D770] =	vst v1  }
0x1d0: {  	v0 =	vld.idx.msk [tilespmem:v62+s3+$0x0], $0xffff;
	_ =	sdelay $0x4  }
0x1d1: {  	[tilespmem:s21+$0x1D780] =	vst v0  }
0x1d2: {  	v0 =	vld.idx.msk [tilespmem:v63+s3+$0x0], $0xffff;
	_ =	sdelay $0x4  }
0x1d3: {  	[tilespmem:s21+$0x1D790] =	vst v0  }
0x1d4: {  	_ =	swait.ge [sflag:s14], $0x1000  }
0x1d5: {  	[sflag:s14] =	ssyncset.done $0x0  }
0x1d6: {  	s18 =	sadd.s32 s18, s9;
	s16 =	sadd.s32 $0x1, s16;
	[sflag:s14] =	ssyncadd.s32 $0xFFFFF000  }
0x1d7: {  	[hbm4b:s18+s3] =	stream.linear.scatter [tilespmem:s13], [sflag:$0x1], $0x1000, $0x38;
	[tilespmem:$0x1E6A0] =	vst v63  }
0x1d8: {  	p0 =	sne.s32 s16, $0x1A;
	_ =	swait.ge [sflag:s14], $0x1000  }
.Ltmp4:
0x1d9: {  	[sflag:s14] =	ssyncset.done $0x0;
	(pc) =	sbr.rel @p0 .LBB2_2-.Ltmp4, $4  }
0x1da: {  	[sflag:s14] =	ssyncadd.s32 $0xFFFFF000  }
0x1db: {  	_ =	swait.ge [sflag:s14], $0x1000  }
0x1dc: {  	[sflag:s14] =	ssyncset.done $0x0  }
0x1dd: {  	[sflag:s14] =	ssyncadd.s32 $0xFFFFF000  }
0x1de: {  	s15 =	sadd.s32 $0x1, s15  }
0x1df: {  	p0 =	sne.s32 s15, s10  }
.Ltmp5:
0x1e0: {  	_ = 	snop;
	(pc) =	sbr.rel @p0 .LBB2_1-.Ltmp5, $1  }
0x1e1: {  	_ =	sdelay $0x3  }
0x1e2: {  	_ =	sfence.sel $0x180000  }
0x1e3: {  	[bflag:$0x0] =	sbarrier.arrive $0xFFFF  }
0x1e4: {  	p0 =	sne.s32 s2, $0x0;
	_ =	strace $0x90000047  }
0x1e5: {  	s0 =	sadd.s32 @!p0 $0x100000, s0;
	[bflag:$0x2] =	sbarrier.arrive $0xFFFF  }
0x1e6: {  	[sflag:s0] =	ssyncadd.tile.s32 @!p0 $0x1;
	_ =	shalt  }
.Lfunc_end2:
_tile_overlayer_lowered:
.L_overlay_start_2:
0x1e7: {  	(tag) =	ssettag $0x2  }
0x1e8: {  	s0 =	rddreg [dreg:$0x0];
	s2 =	stileid.u32  }
0x1e9: {  	s1 =	rddreg [dreg:$0x1];
	p0 =	sne.s32 s2, $0x0  }
0x1ea: {  	s3 =	rddreg [dreg:$0x2];
	[bflag:$0x3] =	sbarrier.arrive $0xFFFF;
	s2 =	simm.s32 @!p0 $0x1C02  }
0x1eb: {  	[timem:s3], [sflag:s2] =	dma.local @!p0 [hbm:s0], s1  }
0x1ec: {  	s0 =	simm.s32 @!p0 $0x2  }
0x1ed: {  	_ =	swait.ge @!p0 [sflag:s0], s1  }
0x1ee: {  	s1 =	ssub.s32 @!p0 $0x0, s1;
	[sflag:s0] =	ssyncset.done @!p0 $0x0  }
0x1ef: {  	[sflag:s0] =	ssyncadd.s32 @!p0 s1  }
0x1f0: {  	[bflag:$0x3] =	sbarrier.arrive $0xFFFF  }
0x1f1: {  	_ =	shalt  }

</sc_bundles>
